<compile_context>
chip_gen: v7x
topology: tpu7x:2x2x1
jax: 0.10.2.dev20260603
libtpu: 0.0.44.dev20260713+nightly
codegen_flags: <defaults>
</compile_context>

<pallas_src>
import functools
import jax
import jax.numpy as jnp
from jax import lax
from jax.experimental import pallas as pl
from jax.experimental.pallas import tpu as pltpu
from jax.experimental.pallas import tpu_sc as plsc


def kernel(x_ids, table):
    bsz, seq_len = x_ids.shape
    d = table.shape[1]

    info = plsc.get_sparse_core_info()
    NC, NS = info.num_cores, info.num_subcores
    NW = NC * NS
    rows_per_w = seq_len // NW
    NBUF = 2
    AHEAD = 1
    buf_rows = (64, 56)
    sizes = []
    left = rows_per_w
    while left > 0:
        c = min(buf_rows[len(sizes) % NBUF], left)
        sizes.append(c)
        left -= c
    assert all(c % 8 == 0 for c in sizes)
    offs = [sum(sizes[:i]) for i in range(len(sizes))]
    n_chunks = len(sizes)

    mesh = plsc.VectorSubcoreMesh(core_axis_name="c", subcore_axis_name="s")

    @functools.partial(
        pl.kernel,
        mesh=mesh,
        out_type=jax.ShapeDtypeStruct((bsz, seq_len, d), table.dtype),
        scratch_types=(
            [pltpu.VMEM((r, d), table.dtype) for r in buf_rows]
            + [pltpu.SemaphoreType.DMA]
            + [pltpu.SemaphoreType.DMA for _ in range(NBUF)]
        ),
    )
    def sc_copy(table_hbm, out_hbm, *refs):
        bufs = refs[:NBUF]
        gsem = refs[NBUF]
        wsems = refs[NBUF + 1 :]
        wid = lax.axis_index("s") * NC + lax.axis_index("c")
        base = wid * rows_per_w
        gathers = [None] * NBUF
        scatters = [[] for _ in range(NBUF)]

        def gather(j):
            return pltpu.async_copy(
                table_hbm.at[pl.ds(base + offs[j], sizes[j])],
                bufs[j % NBUF].at[pl.ds(0, sizes[j])],
                gsem,
            )

        for j in range(min(AHEAD, n_chunks)):
            gathers[j % NBUF] = gather(j)
        for i in range(n_chunks):
            k = i % NBUF
            gathers[k].wait()
            nxt = i + AHEAD
            if nxt < n_chunks:
                nk = nxt % NBUF
                for h in scatters[nk]:
                    h.wait()
                scatters[nk] = []
                gathers[nk] = gather(nxt)
            start = base + offs[i]
            for b in range(bsz):
                scatters[k].append(
                    pltpu.async_copy(
                        bufs[k].at[pl.ds(0, sizes[i])],
                        out_hbm.at[b, pl.ds(start, sizes[i])],
                        wsems[k],
                    )
                )
        for k in range(NBUF):
            for h in scatters[k]:
                h.wait()

    return sc_copy(table)

# --- scband reference (transcript-rebuilt; emitter-appended) ---
"""Pipeline reference for scband-absolute-positional-embedding-64768106823827 (READ-ONLY COPY).

The authoritative reference and input builder live on the scoring server;
editing this copy changes nothing except your own understanding.
"""

import jax, jax.numpy as jnp
import numpy as np

CONTEXT_LENGTH = 8192
D_MODEL = 1024
BATCH = 4
SEQ_LEN = 8192

def setup_inputs(seed: int = 0) -> dict:
    key = jax.random.key(seed)
    k1, k2 = jax.random.split(key)
    x_ids = jax.random.randint(k1, (BATCH, SEQ_LEN), 0, CONTEXT_LENGTH, dtype=jnp.int64 if jax.config.read('jax_enable_x64') else jnp.int32)
    table = jax.random.normal(k2, (CONTEXT_LENGTH, D_MODEL), dtype=jnp.float32)
    return {"x_ids": x_ids, "table": table}

def reference(x_ids, table):
    bsz, seq_len = x_ids.shape
    positions = jnp.arange(seq_len, dtype=jnp.int32)
    pos = jnp.take(table, positions, axis=0)  # (T, d_model) gather
    pos = jnp.broadcast_to(pos[None, :, :], (bsz, seq_len, pos.shape[-1]))
    return pos

if __name__ == "__main__":
    import jax
    _d = setup_inputs()
    print(jax.jit(kernel)(*tuple(_d.values())))

</pallas_src>

<mosaic_0001>
#map = affine_map<(d0, d1) -> (0, 0)>
#map1 = affine_map<(d0, d1) -> (0, 0, 0)>
module attributes {stable_mosaic.version = 14 : i64} {
  func.func @sc_copy(%arg0: i32, %arg1: i32, %arg2: memref<8192x1024xf32, #tpu.memory_space<hbm>>, %arg3: memref<4x8192x1024xf32, #tpu.memory_space<hbm>>, %arg4: memref<64x1024xf32, #tpu.memory_space<vmem>>, %arg5: memref<56x1024xf32, #tpu.memory_space<vmem>>, %arg6: memref<!tpu.dma_semaphore, #tpu.memory_space<semaphore_mem>>, %arg7: memref<!tpu.dma_semaphore, #tpu.memory_space<semaphore_mem>>, %arg8: memref<!tpu.dma_semaphore, #tpu.memory_space<semaphore_mem>>) attributes {dimension_semantics = [#tpu.dimension_semantics<core_parallel>, #tpu.dimension_semantics<subcore_parallel>], iteration_bounds = array<i64: 2, 16>, scalar_prefetch = 0 : i64, scratch_operands = 5 : i64, tpu.core_type = #tpu.core_type<sc_vector_subcore>, window_params = [{transform_indices = #map}, {transform_indices = #map1}]} {
    %mul3A = arith.constant 2 : i32
    %mul3A_0 = arith.muli %arg1, %mul3A : i32
    %add3A = arith.addi %mul3A_0, %arg0 : i32
    %mul3A_1 = arith.constant 256 : i32
    %mul3A_2 = arith.muli %add3A, %mul3A_1 : i32
    %add3A_3 = arith.constant 0 : i32
    %add3A_4 = arith.addi %mul3A_2, %add3A_3 : i32
    %dma_start3A = arith.constant 0 : i32
    %dma_start3A_5 = arith.constant 0 : i32
    %dma_start3A_6 = tpu.memref_slice %arg4[%dma_start3A, %dma_start3A_5] : memref<64x1024xf32, #tpu.memory_space<vmem>> -> memref<64x1024xf32, #tpu.memory_space<vmem>>
    %dma_start3A_7 = arith.constant 0 : i32
    %dma_start3A_8 = tpu.memref_slice %arg2[%add3A_4, %dma_start3A_7] : memref<8192x1024xf32, #tpu.memory_space<hbm>> -> memref<64x1024xf32, #tpu.memory_space<hbm>>
    %dma_start3A_9 = arith.constant 0 : i32
    %dma_start3A_10 = arith.constant 0 : i32
    %dma_start3A_11 = tpu.memref_slice %arg4[%dma_start3A_9, %dma_start3A_10] : memref<64x1024xf32, #tpu.memory_space<vmem>> -> memref<64x1024xf32, #tpu.memory_space<vmem>>
    %dma_start3A_12 = arith.constant 0 : i32
    %dma_start3A_13 = tpu.memref_slice %arg2[%add3A_4, %dma_start3A_12] : memref<8192x1024xf32, #tpu.memory_space<hbm>> -> memref<64x1024xf32, #tpu.memory_space<hbm>>
    tpu.enqueue_dma source(%dma_start3A_13 : memref<64x1024xf32, #tpu.memory_space<hbm>>) target(%dma_start3A_11 : memref<64x1024xf32, #tpu.memory_space<vmem>>) target_semaphore(%arg6 : memref<!tpu.dma_semaphore, #tpu.memory_space<semaphore_mem>>)
    %dma_wait3A = arith.constant 0 : i32
    %dma_wait3A_14 = arith.constant 0 : i32
    %dma_wait3A_15 = tpu.memref_slice %arg4[%dma_wait3A, %dma_wait3A_14] : memref<64x1024xf32, #tpu.memory_space<vmem>> -> memref<64x1024xf32, #tpu.memory_space<vmem>>
    %dma_wait3A_16 = arith.constant 0 : i32
    %dma_wait3A_17 = tpu.memref_slice %arg2[%add3A_4, %dma_wait3A_16] : memref<8192x1024xf32, #tpu.memory_space<hbm>> -> memref<64x1024xf32, #tpu.memory_space<hbm>>
    %dma_wait3A_18 = arith.constant 0 : i32
    %dma_wait3A_19 = arith.constant 0 : i32
    %dma_wait3A_20 = tpu.memref_slice %arg4[%dma_wait3A_18, %dma_wait3A_19] : memref<64x1024xf32, #tpu.memory_space<vmem>> -> memref<64x1024xf32, #tpu.memory_space<vmem>>
    %dma_wait3A_21 = arith.constant 0 : i32
    %dma_wait3A_22 = tpu.memref_slice %arg2[%add3A_4, %dma_wait3A_21] : memref<8192x1024xf32, #tpu.memory_space<hbm>> -> memref<64x1024xf32, #tpu.memory_space<hbm>>
    tpu.wait_dma2 semaphore(%arg6 : memref<!tpu.dma_semaphore, #tpu.memory_space<semaphore_mem>>) src(%dma_wait3A_22 : memref<64x1024xf32, #tpu.memory_space<hbm>>) dst(%dma_wait3A_20 : memref<64x1024xf32, #tpu.memory_space<vmem>>)
    %add3A_23 = arith.constant 64 : i32
    %add3A_24 = arith.addi %mul3A_2, %add3A_23 : i32
    %dma_start3A_25 = arith.constant 0 : i32
    %dma_start3A_26 = arith.constant 0 : i32
    %dma_start3A_27 = tpu.memref_slice %arg5[%dma_start3A_25, %dma_start3A_26] : memref<56x1024xf32, #tpu.memory_space<vmem>> -> memref<56x1024xf32, #tpu.memory_space<vmem>>
    %dma_start3A_28 = arith.constant 0 : i32
    %dma_start3A_29 = tpu.memref_slice %arg2[%add3A_24, %dma_start3A_28] : memref<8192x1024xf32, #tpu.memory_space<hbm>> -> memref<56x1024xf32, #tpu.memory_space<hbm>>
    %dma_start3A_30 = arith.constant 0 : i32
    %dma_start3A_31 = arith.constant 0 : i32
    %dma_start3A_32 = tpu.memref_slice %arg5[%dma_start3A_30, %dma_start3A_31] : memref<56x1024xf32, #tpu.memory_space<vmem>> -> memref<56x1024xf32, #tpu.memory_space<vmem>>
    %dma_start3A_33 = arith.constant 0 : i32
    %dma_start3A_34 = tpu.memref_slice %arg2[%add3A_24, %dma_start3A_33] : memref<8192x1024xf32, #tpu.memory_space<hbm>> -> memref<56x1024xf32, #tpu.memory_space<hbm>>
    tpu.enqueue_dma source(%dma_start3A_34 : memref<56x1024xf32, #tpu.memory_space<hbm>>) target(%dma_start3A_32 : memref<56x1024xf32, #tpu.memory_space<vmem>>) target_semaphore(%arg6 : memref<!tpu.dma_semaphore, #tpu.memory_space<semaphore_mem>>)
    %add3A_35 = arith.constant 0 : i32
    %add3A_36 = arith.addi %mul3A_2, %add3A_35 : i32
    %dma_start3A_37 = arith.constant 0 : i32
    %dma_start3A_38 = arith.constant 0 : i32
    %dma_start3A_39 = arith.constant 0 : i32
    %dma_start3A_40 = tpu.memref_slice %arg4[%dma_start3A_38, %dma_start3A_39] : memref<64x1024xf32, #tpu.memory_space<vmem>> -> memref<64x1024xf32, #tpu.memory_space<vmem>>
    %dma_start3A_41 = arith.constant 0 : i32
    %dma_start3A_42 = tpu.memref_slice %arg3[%dma_start3A_37, %add3A_36, %dma_start3A_41] : memref<4x8192x1024xf32, #tpu.memory_space<hbm>> -> memref<1x64x1024xf32, #tpu.memory_space<hbm>>
    %dma_start3A_43 = tpu.memref_squeeze %dma_start3A_42 : memref<1x64x1024xf32, #tpu.memory_space<hbm>> -> memref<64x1024xf32, #tpu.memory_space<hbm>>
    %dma_start3A_44 = arith.constant 0 : i32
    %dma_start3A_45 = tpu.memref_slice %arg3[%dma_start3A_37, %add3A_36, %dma_start3A_44] : memref<4x8192x1024xf32, #tpu.memory_space<hbm>> -> memref<1x64x1024xf32, #tpu.memory_space<hbm>>
    %dma_start3A_46 = tpu.memref_squeeze %dma_start3A_45 : memref<1x64x1024xf32, #tpu.memory_space<hbm>> -> memref<64x1024xf32, #tpu.memory_space<hbm>>
    %dma_start3A_47 = arith.constant 0 : i32
    %dma_start3A_48 = arith.constant 0 : i32
    %dma_start3A_49 = tpu.memref_slice %arg4[%dma_start3A_47, %dma_start3A_48] : memref<64x1024xf32, #tpu.memory_space<vmem>> -> memref<64x1024xf32, #tpu.memory_space<vmem>>
    tpu.enqueue_dma source(%dma_start3A_49 : memref<64x1024xf32, #tpu.memory_space<vmem>>) target(%dma_start3A_46 : memref<64x1024xf32, #tpu.memory_space<hbm>>) target_semaphore(%arg7 : memref<!tpu.dma_semaphore, #tpu.memory_space<semaphore_mem>>)
    %dma_start3A_50 = arith.constant 1 : i32
    %dma_start3A_51 = arith.constant 0 : i32
    %dma_start3A_52 = arith.constant 0 : i32
    %dma_start3A_53 = tpu.memref_slice %arg4[%dma_start3A_51, %dma_start3A_52] : memref<64x1024xf32, #tpu.memory_space<vmem>> -> memref<64x1024xf32, #tpu.memory_space<vmem>>
    %dma_start3A_54 = arith.constant 0 : i32
    %dma_start3A_55 = tpu.memref_slice %arg3[%dma_start3A_50, %add3A_36, %dma_start3A_54] : memref<4x8192x1024xf32, #tpu.memory_space<hbm>> -> memref<1x64x1024xf32, #tpu.memory_space<hbm>>
    %dma_start3A_56 = tpu.memref_squeeze %dma_start3A_55 : memref<1x64x1024xf32, #tpu.memory_space<hbm>> -> memref<64x1024xf32, #tpu.memory_space<hbm>>
    %dma_start3A_57 = arith.constant 0 : i32
    %dma_start3A_58 = tpu.memref_slice %arg3[%dma_start3A_50, %add3A_36, %dma_start3A_57] : memref<4x8192x1024xf32, #tpu.memory_space<hbm>> -> memref<1x64x1024xf32, #tpu.memory_space<hbm>>
    %dma_start3A_59 = tpu.memref_squeeze %dma_start3A_58 : memref<1x64x1024xf32, #tpu.memory_space<hbm>> -> memref<64x1024xf32, #tpu.memory_space<hbm>>
    %dma_start3A_60 = arith.constant 0 : i32
    %dma_start3A_61 = arith.constant 0 : i32
    %dma_start3A_62 = tpu.memref_slice %arg4[%dma_start3A_60, %dma_start3A_61] : memref<64x1024xf32, #tpu.memory_space<vmem>> -> memref<64x1024xf32, #tpu.memory_space<vmem>>
    tpu.enqueue_dma source(%dma_start3A_62 : memref<64x1024xf32, #tpu.memory_space<vmem>>) target(%dma_start3A_59 : memref<64x1024xf32, #tpu.memory_space<hbm>>) target_semaphore(%arg7 : memref<!tpu.dma_semaphore, #tpu.memory_space<semaphore_mem>>)
    %dma_start3A_63 = arith.constant 2 : i32
    %dma_start3A_64 = arith.constant 0 : i32
    %dma_start3A_65 = arith.constant 0 : i32
    %dma_start3A_66 = tpu.memref_slice %arg4[%dma_start3A_64, %dma_start3A_65] : memref<64x1024xf32, #tpu.memory_space<vmem>> -> memref<64x1024xf32, #tpu.memory_space<vmem>>
    %dma_start3A_67 = arith.constant 0 : i32
    %dma_start3A_68 = tpu.memref_slice %arg3[%dma_start3A_63, %add3A_36, %dma_start3A_67] : memref<4x8192x1024xf32, #tpu.memory_space<hbm>> -> memref<1x64x1024xf32, #tpu.memory_space<hbm>>
    %dma_start3A_69 = tpu.memref_squeeze %dma_start3A_68 : memref<1x64x1024xf32, #tpu.memory_space<hbm>> -> memref<64x1024xf32, #tpu.memory_space<hbm>>
    %dma_start3A_70 = arith.constant 0 : i32
    %dma_start3A_71 = tpu.memref_slice %arg3[%dma_start3A_63, %add3A_36, %dma_start3A_70] : memref<4x8192x1024xf32, #tpu.memory_space<hbm>> -> memref<1x64x1024xf32, #tpu.memory_space<hbm>>
    %dma_start3A_72 = tpu.memref_squeeze %dma_start3A_71 : memref<1x64x1024xf32, #tpu.memory_space<hbm>> -> memref<64x1024xf32, #tpu.memory_space<hbm>>
    %dma_start3A_73 = arith.constant 0 : i32
    %dma_start3A_74 = arith.constant 0 : i32
    %dma_start3A_75 = tpu.memref_slice %arg4[%dma_start3A_73, %dma_start3A_74] : memref<64x1024xf32, #tpu.memory_space<vmem>> -> memref<64x1024xf32, #tpu.memory_space<vmem>>
    tpu.enqueue_dma source(%dma_start3A_75 : memref<64x1024xf32, #tpu.memory_space<vmem>>) target(%dma_start3A_72 : memref<64x1024xf32, #tpu.memory_space<hbm>>) target_semaphore(%arg7 : memref<!tpu.dma_semaphore, #tpu.memory_space<semaphore_mem>>)
    %dma_start3A_76 = arith.constant 3 : i32
    %dma_start3A_77 = arith.constant 0 : i32
    %dma_start3A_78 = arith.constant 0 : i32
    %dma_start3A_79 = tpu.memref_slice %arg4[%dma_start3A_77, %dma_start3A_78] : memref<64x1024xf32, #tpu.memory_space<vmem>> -> memref<64x1024xf32, #tpu.memory_space<vmem>>
    %dma_start3A_80 = arith.constant 0 : i32
    %dma_start3A_81 = tpu.memref_slice %arg3[%dma_start3A_76, %add3A_36, %dma_start3A_80] : memref<4x8192x1024xf32, #tpu.memory_space<hbm>> -> memref<1x64x1024xf32, #tpu.memory_space<hbm>>
    %dma_start3A_82 = tpu.memref_squeeze %dma_start3A_81 : memref<1x64x1024xf32, #tpu.memory_space<hbm>> -> memref<64x1024xf32, #tpu.memory_space<hbm>>
    %dma_start3A_83 = arith.constant 0 : i32
    %dma_start3A_84 = tpu.memref_slice %arg3[%dma_start3A_76, %add3A_36, %dma_start3A_83] : memref<4x8192x1024xf32, #tpu.memory_space<hbm>> -> memref<1x64x1024xf32, #tpu.memory_space<hbm>>
    %dma_start3A_85 = tpu.memref_squeeze %dma_start3A_84 : memref<1x64x1024xf32, #tpu.memory_space<hbm>> -> memref<64x1024xf32, #tpu.memory_space<hbm>>
    %dma_start3A_86 = arith.constant 0 : i32
    %dma_start3A_87 = arith.constant 0 : i32
    %dma_start3A_88 = tpu.memref_slice %arg4[%dma_start3A_86, %dma_start3A_87] : memref<64x1024xf32, #tpu.memory_space<vmem>> -> memref<64x1024xf32, #tpu.memory_space<vmem>>
    tpu.enqueue_dma source(%dma_start3A_88 : memref<64x1024xf32, #tpu.memory_space<vmem>>) target(%dma_start3A_85 : memref<64x1024xf32, #tpu.memory_space<hbm>>) target_semaphore(%arg7 : memref<!tpu.dma_semaphore, #tpu.memory_space<semaphore_mem>>)
    %dma_wait3A_89 = arith.constant 0 : i32
    %dma_wait3A_90 = arith.constant 0 : i32
    %dma_wait3A_91 = tpu.memref_slice %arg5[%dma_wait3A_89, %dma_wait3A_90] : memref<56x1024xf32, #tpu.memory_space<vmem>> -> memref<56x1024xf32, #tpu.memory_space<vmem>>
    %dma_wait3A_92 = arith.constant 0 : i32
    %dma_wait3A_93 = tpu.memref_slice %arg2[%add3A_24, %dma_wait3A_92] : memref<8192x1024xf32, #tpu.memory_space<hbm>> -> memref<56x1024xf32, #tpu.memory_space<hbm>>
    %dma_wait3A_94 = arith.constant 0 : i32
    %dma_wait3A_95 = arith.constant 0 : i32
    %dma_wait3A_96 = tpu.memref_slice %arg5[%dma_wait3A_94, %dma_wait3A_95] : memref<56x1024xf32, #tpu.memory_space<vmem>> -> memref<56x1024xf32, #tpu.memory_space<vmem>>
    %dma_wait3A_97 = arith.constant 0 : i32
    %dma_wait3A_98 = tpu.memref_slice %arg2[%add3A_24, %dma_wait3A_97] : memref<8192x1024xf32, #tpu.memory_space<hbm>> -> memref<56x1024xf32, #tpu.memory_space<hbm>>
    tpu.wait_dma2 semaphore(%arg6 : memref<!tpu.dma_semaphore, #tpu.memory_space<semaphore_mem>>) src(%dma_wait3A_98 : memref<56x1024xf32, #tpu.memory_space<hbm>>) dst(%dma_wait3A_96 : memref<56x1024xf32, #tpu.memory_space<vmem>>)
    %dma_wait3A_99 = arith.constant 0 : i32
    %dma_wait3A_100 = arith.constant 0 : i32
    %dma_wait3A_101 = arith.constant 0 : i32
    %dma_wait3A_102 = tpu.memref_slice %arg4[%dma_wait3A_100, %dma_wait3A_101] : memref<64x1024xf32, #tpu.memory_space<vmem>> -> memref<64x1024xf32, #tpu.memory_space<vmem>>
    %dma_wait3A_103 = arith.constant 0 : i32
    %dma_wait3A_104 = tpu.memref_slice %arg3[%dma_wait3A_99, %add3A_36, %dma_wait3A_103] : memref<4x8192x1024xf32, #tpu.memory_space<hbm>> -> memref<1x64x1024xf32, #tpu.memory_space<hbm>>
    %dma_wait3A_105 = tpu.memref_squeeze %dma_wait3A_104 : memref<1x64x1024xf32, #tpu.memory_space<hbm>> -> memref<64x1024xf32, #tpu.memory_space<hbm>>
    %dma_wait3A_106 = arith.constant 0 : i32
    %dma_wait3A_107 = tpu.memref_slice %arg3[%dma_wait3A_99, %add3A_36, %dma_wait3A_106] : memref<4x8192x1024xf32, #tpu.memory_space<hbm>> -> memref<1x64x1024xf32, #tpu.memory_space<hbm>>
    %dma_wait3A_108 = tpu.memref_squeeze %dma_wait3A_107 : memref<1x64x1024xf32, #tpu.memory_space<hbm>> -> memref<64x1024xf32, #tpu.memory_space<hbm>>
    %dma_wait3A_109 = arith.constant 0 : i32
    %dma_wait3A_110 = arith.constant 0 : i32
    %dma_wait3A_111 = tpu.memref_slice %arg4[%dma_wait3A_109, %dma_wait3A_110] : memref<64x1024xf32, #tpu.memory_space<vmem>> -> memref<64x1024xf32, #tpu.memory_space<vmem>>
    tpu.wait_dma2 semaphore(%arg7 : memref<!tpu.dma_semaphore, #tpu.memory_space<semaphore_mem>>) src(%dma_wait3A_111 : memref<64x1024xf32, #tpu.memory_space<vmem>>) dst(%dma_wait3A_108 : memref<64x1024xf32, #tpu.memory_space<hbm>>)
    %dma_wait3A_112 = arith.constant 1 : i32
    %dma_wait3A_113 = arith.constant 0 : i32
    %dma_wait3A_114 = arith.constant 0 : i32
    %dma_wait3A_115 = tpu.memref_slice %arg4[%dma_wait3A_113, %dma_wait3A_114] : memref<64x1024xf32, #tpu.memory_space<vmem>> -> memref<64x1024xf32, #tpu.memory_space<vmem>>
    %dma_wait3A_116 = arith.constant 0 : i32
    %dma_wait3A_117 = tpu.memref_slice %arg3[%dma_wait3A_112, %add3A_36, %dma_wait3A_116] : memref<4x8192x1024xf32, #tpu.memory_space<hbm>> -> memref<1x64x1024xf32, #tpu.memory_space<hbm>>
    %dma_wait3A_118 = tpu.memref_squeeze %dma_wait3A_117 : memref<1x64x1024xf32, #tpu.memory_space<hbm>> -> memref<64x1024xf32, #tpu.memory_space<hbm>>
    %dma_wait3A_119 = arith.constant 0 : i32
    %dma_wait3A_120 = tpu.memref_slice %arg3[%dma_wait3A_112, %add3A_36, %dma_wait3A_119] : memref<4x8192x1024xf32, #tpu.memory_space<hbm>> -> memref<1x64x1024xf32, #tpu.memory_space<hbm>>
    %dma_wait3A_121 = tpu.memref_squeeze %dma_wait3A_120 : memref<1x64x1024xf32, #tpu.memory_space<hbm>> -> memref<64x1024xf32, #tpu.memory_space<hbm>>
    %dma_wait3A_122 = arith.constant 0 : i32
    %dma_wait3A_123 = arith.constant 0 : i32
    %dma_wait3A_124 = tpu.memref_slice %arg4[%dma_wait3A_122, %dma_wait3A_123] : memref<64x1024xf32, #tpu.memory_space<vmem>> -> memref<64x1024xf32, #tpu.memory_space<vmem>>
    tpu.wait_dma2 semaphore(%arg7 : memref<!tpu.dma_semaphore, #tpu.memory_space<semaphore_mem>>) src(%dma_wait3A_124 : memref<64x1024xf32, #tpu.memory_space<vmem>>) dst(%dma_wait3A_121 : memref<64x1024xf32, #tpu.memory_space<hbm>>)
    %dma_wait3A_125 = arith.constant 2 : i32
    %dma_wait3A_126 = arith.constant 0 : i32
    %dma_wait3A_127 = arith.constant 0 : i32
    %dma_wait3A_128 = tpu.memref_slice %arg4[%dma_wait3A_126, %dma_wait3A_127] : memref<64x1024xf32, #tpu.memory_space<vmem>> -> memref<64x1024xf32, #tpu.memory_space<vmem>>
    %dma_wait3A_129 = arith.constant 0 : i32
    %dma_wait3A_130 = tpu.memref_slice %arg3[%dma_wait3A_125, %add3A_36, %dma_wait3A_129] : memref<4x8192x1024xf32, #tpu.memory_space<hbm>> -> memref<1x64x1024xf32, #tpu.memory_space<hbm>>
    %dma_wait3A_131 = tpu.memref_squeeze %dma_wait3A_130 : memref<1x64x1024xf32, #tpu.memory_space<hbm>> -> memref<64x1024xf32, #tpu.memory_space<hbm>>
    %dma_wait3A_132 = arith.constant 0 : i32
    %dma_wait3A_133 = tpu.memref_slice %arg3[%dma_wait3A_125, %add3A_36, %dma_wait3A_132] : memref<4x8192x1024xf32, #tpu.memory_space<hbm>> -> memref<1x64x1024xf32, #tpu.memory_space<hbm>>
    %dma_wait3A_134 = tpu.memref_squeeze %dma_wait3A_133 : memref<1x64x1024xf32, #tpu.memory_space<hbm>> -> memref<64x1024xf32, #tpu.memory_space<hbm>>
    %dma_wait3A_135 = arith.constant 0 : i32
    %dma_wait3A_136 = arith.constant 0 : i32
    %dma_wait3A_137 = tpu.memref_slice %arg4[%dma_wait3A_135, %dma_wait3A_136] : memref<64x1024xf32, #tpu.memory_space<vmem>> -> memref<64x1024xf32, #tpu.memory_space<vmem>>
    tpu.wait_dma2 semaphore(%arg7 : memref<!tpu.dma_semaphore, #tpu.memory_space<semaphore_mem>>) src(%dma_wait3A_137 : memref<64x1024xf32, #tpu.memory_space<vmem>>) dst(%dma_wait3A_134 : memref<64x1024xf32, #tpu.memory_space<hbm>>)
    %dma_wait3A_138 = arith.constant 3 : i32
    %dma_wait3A_139 = arith.constant 0 : i32
    %dma_wait3A_140 = arith.constant 0 : i32
    %dma_wait3A_141 = tpu.memref_slice %arg4[%dma_wait3A_139, %dma_wait3A_140] : memref<64x1024xf32, #tpu.memory_space<vmem>> -> memref<64x1024xf32, #tpu.memory_space<vmem>>
    %dma_wait3A_142 = arith.constant 0 : i32
    %dma_wait3A_143 = tpu.memref_slice %arg3[%dma_wait3A_138, %add3A_36, %dma_wait3A_142] : memref<4x8192x1024xf32, #tpu.memory_space<hbm>> -> memref<1x64x1024xf32, #tpu.memory_space<hbm>>
    %dma_wait3A_144 = tpu.memref_squeeze %dma_wait3A_143 : memref<1x64x1024xf32, #tpu.memory_space<hbm>> -> memref<64x1024xf32, #tpu.memory_space<hbm>>
    %dma_wait3A_145 = arith.constant 0 : i32
    %dma_wait3A_146 = tpu.memref_slice %arg3[%dma_wait3A_138, %add3A_36, %dma_wait3A_145] : memref<4x8192x1024xf32, #tpu.memory_space<hbm>> -> memref<1x64x1024xf32, #tpu.memory_space<hbm>>
    %dma_wait3A_147 = tpu.memref_squeeze %dma_wait3A_146 : memref<1x64x1024xf32, #tpu.memory_space<hbm>> -> memref<64x1024xf32, #tpu.memory_space<hbm>>
    %dma_wait3A_148 = arith.constant 0 : i32
    %dma_wait3A_149 = arith.constant 0 : i32
    %dma_wait3A_150 = tpu.memref_slice %arg4[%dma_wait3A_148, %dma_wait3A_149] : memref<64x1024xf32, #tpu.memory_space<vmem>> -> memref<64x1024xf32, #tpu.memory_space<vmem>>
    tpu.wait_dma2 semaphore(%arg7 : memref<!tpu.dma_semaphore, #tpu.memory_space<semaphore_mem>>) src(%dma_wait3A_150 : memref<64x1024xf32, #tpu.memory_space<vmem>>) dst(%dma_wait3A_147 : memref<64x1024xf32, #tpu.memory_space<hbm>>)
    %add3A_151 = arith.constant 120 : i32
    %add3A_152 = arith.addi %mul3A_2, %add3A_151 : i32
    %dma_start3A_153 = arith.constant 0 : i32
    %dma_start3A_154 = arith.constant 0 : i32
    %dma_start3A_155 = tpu.memref_slice %arg4[%dma_start3A_153, %dma_start3A_154] : memref<64x1024xf32, #tpu.memory_space<vmem>> -> memref<64x1024xf32, #tpu.memory_space<vmem>>
    %dma_start3A_156 = arith.constant 0 : i32
    %dma_start3A_157 = tpu.memref_slice %arg2[%add3A_152, %dma_start3A_156] : memref<8192x1024xf32, #tpu.memory_space<hbm>> -> memref<64x1024xf32, #tpu.memory_space<hbm>>
    %dma_start3A_158 = arith.constant 0 : i32
    %dma_start3A_159 = arith.constant 0 : i32
    %dma_start3A_160 = tpu.memref_slice %arg4[%dma_start3A_158, %dma_start3A_159] : memref<64x1024xf32, #tpu.memory_space<vmem>> -> memref<64x1024xf32, #tpu.memory_space<vmem>>
    %dma_start3A_161 = arith.constant 0 : i32
    %dma_start3A_162 = tpu.memref_slice %arg2[%add3A_152, %dma_start3A_161] : memref<8192x1024xf32, #tpu.memory_space<hbm>> -> memref<64x1024xf32, #tpu.memory_space<hbm>>
    tpu.enqueue_dma source(%dma_start3A_162 : memref<64x1024xf32, #tpu.memory_space<hbm>>) target(%dma_start3A_160 : memref<64x1024xf32, #tpu.memory_space<vmem>>) target_semaphore(%arg6 : memref<!tpu.dma_semaphore, #tpu.memory_space<semaphore_mem>>)
    %add3A_163 = arith.constant 64 : i32
    %add3A_164 = arith.addi %mul3A_2, %add3A_163 : i32
    %dma_start3A_165 = arith.constant 0 : i32
    %dma_start3A_166 = arith.constant 0 : i32
    %dma_start3A_167 = arith.constant 0 : i32
    %dma_start3A_168 = tpu.memref_slice %arg5[%dma_start3A_166, %dma_start3A_167] : memref<56x1024xf32, #tpu.memory_space<vmem>> -> memref<56x1024xf32, #tpu.memory_space<vmem>>
    %dma_start3A_169 = arith.constant 0 : i32
    %dma_start3A_170 = tpu.memref_slice %arg3[%dma_start3A_165, %add3A_164, %dma_start3A_169] : memref<4x8192x1024xf32, #tpu.memory_space<hbm>> -> memref<1x56x1024xf32, #tpu.memory_space<hbm>>
    %dma_start3A_171 = tpu.memref_squeeze %dma_start3A_170 : memref<1x56x1024xf32, #tpu.memory_space<hbm>> -> memref<56x1024xf32, #tpu.memory_space<hbm>>
    %dma_start3A_172 = arith.constant 0 : i32
    %dma_start3A_173 = tpu.memref_slice %arg3[%dma_start3A_165, %add3A_164, %dma_start3A_172] : memref<4x8192x1024xf32, #tpu.memory_space<hbm>> -> memref<1x56x1024xf32, #tpu.memory_space<hbm>>
    %dma_start3A_174 = tpu.memref_squeeze %dma_start3A_173 : memref<1x56x1024xf32, #tpu.memory_space<hbm>> -> memref<56x1024xf32, #tpu.memory_space<hbm>>
    %dma_start3A_175 = arith.constant 0 : i32
    %dma_start3A_176 = arith.constant 0 : i32
    %dma_start3A_177 = tpu.memref_slice %arg5[%dma_start3A_175, %dma_start3A_176] : memref<56x1024xf32, #tpu.memory_space<vmem>> -> memref<56x1024xf32, #tpu.memory_space<vmem>>
    tpu.enqueue_dma source(%dma_start3A_177 : memref<56x1024xf32, #tpu.memory_space<vmem>>) target(%dma_start3A_174 : memref<56x1024xf32, #tpu.memory_space<hbm>>) target_semaphore(%arg8 : memref<!tpu.dma_semaphore, #tpu.memory_space<semaphore_mem>>)
    %dma_start3A_178 = arith.constant 1 : i32
    %dma_start3A_179 = arith.constant 0 : i32
    %dma_start3A_180 = arith.constant 0 : i32
    %dma_start3A_181 = tpu.memref_slice %arg5[%dma_start3A_179, %dma_start3A_180] : memref<56x1024xf32, #tpu.memory_space<vmem>> -> memref<56x1024xf32, #tpu.memory_space<vmem>>
    %dma_start3A_182 = arith.constant 0 : i32
    %dma_start3A_183 = tpu.memref_slice %arg3[%dma_start3A_178, %add3A_164, %dma_start3A_182] : memref<4x8192x1024xf32, #tpu.memory_space<hbm>> -> memref<1x56x1024xf32, #tpu.memory_space<hbm>>
    %dma_start3A_184 = tpu.memref_squeeze %dma_start3A_183 : memref<1x56x1024xf32, #tpu.memory_space<hbm>> -> memref<56x1024xf32, #tpu.memory_space<hbm>>
    %dma_start3A_185 = arith.constant 0 : i32
    %dma_start3A_186 = tpu.memref_slice %arg3[%dma_start3A_178, %add3A_164, %dma_start3A_185] : memref<4x8192x1024xf32, #tpu.memory_space<hbm>> -> memref<1x56x1024xf32, #tpu.memory_space<hbm>>
    %dma_start3A_187 = tpu.memref_squeeze %dma_start3A_186 : memref<1x56x1024xf32, #tpu.memory_space<hbm>> -> memref<56x1024xf32, #tpu.memory_space<hbm>>
    %dma_start3A_188 = arith.constant 0 : i32
    %dma_start3A_189 = arith.constant 0 : i32
    %dma_start3A_190 = tpu.memref_slice %arg5[%dma_start3A_188, %dma_start3A_189] : memref<56x1024xf32, #tpu.memory_space<vmem>> -> memref<56x1024xf32, #tpu.memory_space<vmem>>
    tpu.enqueue_dma source(%dma_start3A_190 : memref<56x1024xf32, #tpu.memory_space<vmem>>) target(%dma_start3A_187 : memref<56x1024xf32, #tpu.memory_space<hbm>>) target_semaphore(%arg8 : memref<!tpu.dma_semaphore, #tpu.memory_space<semaphore_mem>>)
    %dma_start3A_191 = arith.constant 2 : i32
    %dma_start3A_192 = arith.constant 0 : i32
    %dma_start3A_193 = arith.constant 0 : i32
    %dma_start3A_194 = tpu.memref_slice %arg5[%dma_start3A_192, %dma_start3A_193] : memref<56x1024xf32, #tpu.memory_space<vmem>> -> memref<56x1024xf32, #tpu.memory_space<vmem>>
    %dma_start3A_195 = arith.constant 0 : i32
    %dma_start3A_196 = tpu.memref_slice %arg3[%dma_start3A_191, %add3A_164, %dma_start3A_195] : memref<4x8192x1024xf32, #tpu.memory_space<hbm>> -> memref<1x56x1024xf32, #tpu.memory_space<hbm>>
    %dma_start3A_197 = tpu.memref_squeeze %dma_start3A_196 : memref<1x56x1024xf32, #tpu.memory_space<hbm>> -> memref<56x1024xf32, #tpu.memory_space<hbm>>
    %dma_start3A_198 = arith.constant 0 : i32
    %dma_start3A_199 = tpu.memref_slice %arg3[%dma_start3A_191, %add3A_164, %dma_start3A_198] : memref<4x8192x1024xf32, #tpu.memory_space<hbm>> -> memref<1x56x1024xf32, #tpu.memory_space<hbm>>
    %dma_start3A_200 = tpu.memref_squeeze %dma_start3A_199 : memref<1x56x1024xf32, #tpu.memory_space<hbm>> -> memref<56x1024xf32, #tpu.memory_space<hbm>>
    %dma_start3A_201 = arith.constant 0 : i32
    %dma_start3A_202 = arith.constant 0 : i32
    %dma_start3A_203 = tpu.memref_slice %arg5[%dma_start3A_201, %dma_start3A_202] : memref<56x1024xf32, #tpu.memory_space<vmem>> -> memref<56x1024xf32, #tpu.memory_space<vmem>>
    tpu.enqueue_dma source(%dma_start3A_203 : memref<56x1024xf32, #tpu.memory_space<vmem>>) target(%dma_start3A_200 : memref<56x1024xf32, #tpu.memory_space<hbm>>) target_semaphore(%arg8 : memref<!tpu.dma_semaphore, #tpu.memory_space<semaphore_mem>>)
    %dma_start3A_204 = arith.constant 3 : i32
    %dma_start3A_205 = arith.constant 0 : i32
    %dma_start3A_206 = arith.constant 0 : i32
    %dma_start3A_207 = tpu.memref_slice %arg5[%dma_start3A_205, %dma_start3A_206] : memref<56x1024xf32, #tpu.memory_space<vmem>> -> memref<56x1024xf32, #tpu.memory_space<vmem>>
    %dma_start3A_208 = arith.constant 0 : i32
    %dma_start3A_209 = tpu.memref_slice %arg3[%dma_start3A_204, %add3A_164, %dma_start3A_208] : memref<4x8192x1024xf32, #tpu.memory_space<hbm>> -> memref<1x56x1024xf32, #tpu.memory_space<hbm>>
    %dma_start3A_210 = tpu.memref_squeeze %dma_start3A_209 : memref<1x56x1024xf32, #tpu.memory_space<hbm>> -> memref<56x1024xf32, #tpu.memory_space<hbm>>
    %dma_start3A_211 = arith.constant 0 : i32
    %dma_start3A_212 = tpu.memref_slice %arg3[%dma_start3A_204, %add3A_164, %dma_start3A_211] : memref<4x8192x1024xf32, #tpu.memory_space<hbm>> -> memref<1x56x1024xf32, #tpu.memory_space<hbm>>
    %dma_start3A_213 = tpu.memref_squeeze %dma_start3A_212 : memref<1x56x1024xf32, #tpu.memory_space<hbm>> -> memref<56x1024xf32, #tpu.memory_space<hbm>>
    %dma_start3A_214 = arith.constant 0 : i32
    %dma_start3A_215 = arith.constant 0 : i32
    %dma_start3A_216 = tpu.memref_slice %arg5[%dma_start3A_214, %dma_start3A_215] : memref<56x1024xf32, #tpu.memory_space<vmem>> -> memref<56x1024xf32, #tpu.memory_space<vmem>>
    tpu.enqueue_dma source(%dma_start3A_216 : memref<56x1024xf32, #tpu.memory_space<vmem>>) target(%dma_start3A_213 : memref<56x1024xf32, #tpu.memory_space<hbm>>) target_semaphore(%arg8 : memref<!tpu.dma_semaphore, #tpu.memory_space<semaphore_mem>>)
    %dma_wait3A_217 = arith.constant 0 : i32
    %dma_wait3A_218 = arith.constant 0 : i32
    %dma_wait3A_219 = tpu.memref_slice %arg4[%dma_wait3A_217, %dma_wait3A_218] : memref<64x1024xf32, #tpu.memory_space<vmem>> -> memref<64x1024xf32, #tpu.memory_space<vmem>>
    %dma_wait3A_220 = arith.constant 0 : i32
    %dma_wait3A_221 = tpu.memref_slice %arg2[%add3A_152, %dma_wait3A_220] : memref<8192x1024xf32, #tpu.memory_space<hbm>> -> memref<64x1024xf32, #tpu.memory_space<hbm>>
    %dma_wait3A_222 = arith.constant 0 : i32
    %dma_wait3A_223 = arith.constant 0 : i32
    %dma_wait3A_224 = tpu.memref_slice %arg4[%dma_wait3A_222, %dma_wait3A_223] : memref<64x1024xf32, #tpu.memory_space<vmem>> -> memref<64x1024xf32, #tpu.memory_space<vmem>>
    %dma_wait3A_225 = arith.constant 0 : i32
    %dma_wait3A_226 = tpu.memref_slice %arg2[%add3A_152, %dma_wait3A_225] : memref<8192x1024xf32, #tpu.memory_space<hbm>> -> memref<64x1024xf32, #tpu.memory_space<hbm>>
    tpu.wait_dma2 semaphore(%arg6 : memref<!tpu.dma_semaphore, #tpu.memory_space<semaphore_mem>>) src(%dma_wait3A_226 : memref<64x1024xf32, #tpu.memory_space<hbm>>) dst(%dma_wait3A_224 : memref<64x1024xf32, #tpu.memory_space<vmem>>)
    %dma_wait3A_227 = arith.constant 0 : i32
    %dma_wait3A_228 = arith.constant 0 : i32
    %dma_wait3A_229 = arith.constant 0 : i32
    %dma_wait3A_230 = tpu.memref_slice %arg5[%dma_wait3A_228, %dma_wait3A_229] : memref<56x1024xf32, #tpu.memory_space<vmem>> -> memref<56x1024xf32, #tpu.memory_space<vmem>>
    %dma_wait3A_231 = arith.constant 0 : i32
    %dma_wait3A_232 = tpu.memref_slice %arg3[%dma_wait3A_227, %add3A_164, %dma_wait3A_231] : memref<4x8192x1024xf32, #tpu.memory_space<hbm>> -> memref<1x56x1024xf32, #tpu.memory_space<hbm>>
    %dma_wait3A_233 = tpu.memref_squeeze %dma_wait3A_232 : memref<1x56x1024xf32, #tpu.memory_space<hbm>> -> memref<56x1024xf32, #tpu.memory_space<hbm>>
    %dma_wait3A_234 = arith.constant 0 : i32
    %dma_wait3A_235 = tpu.memref_slice %arg3[%dma_wait3A_227, %add3A_164, %dma_wait3A_234] : memref<4x8192x1024xf32, #tpu.memory_space<hbm>> -> memref<1x56x1024xf32, #tpu.memory_space<hbm>>
    %dma_wait3A_236 = tpu.memref_squeeze %dma_wait3A_235 : memref<1x56x1024xf32, #tpu.memory_space<hbm>> -> memref<56x1024xf32, #tpu.memory_space<hbm>>
    %dma_wait3A_237 = arith.constant 0 : i32
    %dma_wait3A_238 = arith.constant 0 : i32
    %dma_wait3A_239 = tpu.memref_slice %arg5[%dma_wait3A_237, %dma_wait3A_238] : memref<56x1024xf32, #tpu.memory_space<vmem>> -> memref<56x1024xf32, #tpu.memory_space<vmem>>
    tpu.wait_dma2 semaphore(%arg8 : memref<!tpu.dma_semaphore, #tpu.memory_space<semaphore_mem>>) src(%dma_wait3A_239 : memref<56x1024xf32, #tpu.memory_space<vmem>>) dst(%dma_wait3A_236 : memref<56x1024xf32, #tpu.memory_space<hbm>>)
    %dma_wait3A_240 = arith.constant 1 : i32
    %dma_wait3A_241 = arith.constant 0 : i32
    %dma_wait3A_242 = arith.constant 0 : i32
    %dma_wait3A_243 = tpu.memref_slice %arg5[%dma_wait3A_241, %dma_wait3A_242] : memref<56x1024xf32, #tpu.memory_space<vmem>> -> memref<56x1024xf32, #tpu.memory_space<vmem>>
    %dma_wait3A_244 = arith.constant 0 : i32
    %dma_wait3A_245 = tpu.memref_slice %arg3[%dma_wait3A_240, %add3A_164, %dma_wait3A_244] : memref<4x8192x1024xf32, #tpu.memory_space<hbm>> -> memref<1x56x1024xf32, #tpu.memory_space<hbm>>
    %dma_wait3A_246 = tpu.memref_squeeze %dma_wait3A_245 : memref<1x56x1024xf32, #tpu.memory_space<hbm>> -> memref<56x1024xf32, #tpu.memory_space<hbm>>
    %dma_wait3A_247 = arith.constant 0 : i32
    %dma_wait3A_248 = tpu.memref_slice %arg3[%dma_wait3A_240, %add3A_164, %dma_wait3A_247] : memref<4x8192x1024xf32, #tpu.memory_space<hbm>> -> memref<1x56x1024xf32, #tpu.memory_space<hbm>>
    %dma_wait3A_249 = tpu.memref_squeeze %dma_wait3A_248 : memref<1x56x1024xf32, #tpu.memory_space<hbm>> -> memref<56x1024xf32, #tpu.memory_space<hbm>>
    %dma_wait3A_250 = arith.constant 0 : i32
    %dma_wait3A_251 = arith.constant 0 : i32
    %dma_wait3A_252 = tpu.memref_slice %arg5[%dma_wait3A_250, %dma_wait3A_251] : memref<56x1024xf32, #tpu.memory_space<vmem>> -> memref<56x1024xf32, #tpu.memory_space<vmem>>
    tpu.wait_dma2 semaphore(%arg8 : memref<!tpu.dma_semaphore, #tpu.memory_space<semaphore_mem>>) src(%dma_wait3A_252 : memref<56x1024xf32, #tpu.memory_space<vmem>>) dst(%dma_wait3A_249 : memref<56x1024xf32, #tpu.memory_space<hbm>>)
    %dma_wait3A_253 = arith.constant 2 : i32
    %dma_wait3A_254 = arith.constant 0 : i32
    %dma_wait3A_255 = arith.constant 0 : i32
    %dma_wait3A_256 = tpu.memref_slice %arg5[%dma_wait3A_254, %dma_wait3A_255] : memref<56x1024xf32, #tpu.memory_space<vmem>> -> memref<56x1024xf32, #tpu.memory_space<vmem>>
    %dma_wait3A_257 = arith.constant 0 : i32
    %dma_wait3A_258 = tpu.memref_slice %arg3[%dma_wait3A_253, %add3A_164, %dma_wait3A_257] : memref<4x8192x1024xf32, #tpu.memory_space<hbm>> -> memref<1x56x1024xf32, #tpu.memory_space<hbm>>
    %dma_wait3A_259 = tpu.memref_squeeze %dma_wait3A_258 : memref<1x56x1024xf32, #tpu.memory_space<hbm>> -> memref<56x1024xf32, #tpu.memory_space<hbm>>
    %dma_wait3A_260 = arith.constant 0 : i32
    %dma_wait3A_261 = tpu.memref_slice %arg3[%dma_wait3A_253, %add3A_164, %dma_wait3A_260] : memref<4x8192x1024xf32, #tpu.memory_space<hbm>> -> memref<1x56x1024xf32, #tpu.memory_space<hbm>>
    %dma_wait3A_262 = tpu.memref_squeeze %dma_wait3A_261 : memref<1x56x1024xf32, #tpu.memory_space<hbm>> -> memref<56x1024xf32, #tpu.memory_space<hbm>>
    %dma_wait3A_263 = arith.constant 0 : i32
    %dma_wait3A_264 = arith.constant 0 : i32
    %dma_wait3A_265 = tpu.memref_slice %arg5[%dma_wait3A_263, %dma_wait3A_264] : memref<56x1024xf32, #tpu.memory_space<vmem>> -> memref<56x1024xf32, #tpu.memory_space<vmem>>
    tpu.wait_dma2 semaphore(%arg8 : memref<!tpu.dma_semaphore, #tpu.memory_space<semaphore_mem>>) src(%dma_wait3A_265 : memref<56x1024xf32, #tpu.memory_space<vmem>>) dst(%dma_wait3A_262 : memref<56x1024xf32, #tpu.memory_space<hbm>>)
    %dma_wait3A_266 = arith.constant 3 : i32
    %dma_wait3A_267 = arith.constant 0 : i32
    %dma_wait3A_268 = arith.constant 0 : i32
    %dma_wait3A_269 = tpu.memref_slice %arg5[%dma_wait3A_267, %dma_wait3A_268] : memref<56x1024xf32, #tpu.memory_space<vmem>> -> memref<56x1024xf32, #tpu.memory_space<vmem>>
    %dma_wait3A_270 = arith.constant 0 : i32
    %dma_wait3A_271 = tpu.memref_slice %arg3[%dma_wait3A_266, %add3A_164, %dma_wait3A_270] : memref<4x8192x1024xf32, #tpu.memory_space<hbm>> -> memref<1x56x1024xf32, #tpu.memory_space<hbm>>
    %dma_wait3A_272 = tpu.memref_squeeze %dma_wait3A_271 : memref<1x56x1024xf32, #tpu.memory_space<hbm>> -> memref<56x1024xf32, #tpu.memory_space<hbm>>
    %dma_wait3A_273 = arith.constant 0 : i32
    %dma_wait3A_274 = tpu.memref_slice %arg3[%dma_wait3A_266, %add3A_164, %dma_wait3A_273] : memref<4x8192x1024xf32, #tpu.memory_space<hbm>> -> memref<1x56x1024xf32, #tpu.memory_space<hbm>>
    %dma_wait3A_275 = tpu.memref_squeeze %dma_wait3A_274 : memref<1x56x1024xf32, #tpu.memory_space<hbm>> -> memref<56x1024xf32, #tpu.memory_space<hbm>>
    %dma_wait3A_276 = arith.constant 0 : i32
    %dma_wait3A_277 = arith.constant 0 : i32
    %dma_wait3A_278 = tpu.memref_slice %arg5[%dma_wait3A_276, %dma_wait3A_277] : memref<56x1024xf32, #tpu.memory_space<vmem>> -> memref<56x1024xf32, #tpu.memory_space<vmem>>
    tpu.wait_dma2 semaphore(%arg8 : memref<!tpu.dma_semaphore, #tpu.memory_space<semaphore_mem>>) src(%dma_wait3A_278 : memref<56x1024xf32, #tpu.memory_space<vmem>>) dst(%dma_wait3A_275 : memref<56x1024xf32, #tpu.memory_space<hbm>>)
    %add3A_279 = arith.constant 184 : i32
    %add3A_280 = arith.addi %mul3A_2, %add3A_279 : i32
    %dma_start3A_281 = arith.constant 0 : i32
    %dma_start3A_282 = arith.constant 0 : i32
    %dma_start3A_283 = tpu.memref_slice %arg5[%dma_start3A_281, %dma_start3A_282] : memref<56x1024xf32, #tpu.memory_space<vmem>> -> memref<56x1024xf32, #tpu.memory_space<vmem>>
    %dma_start3A_284 = arith.constant 0 : i32
    %dma_start3A_285 = tpu.memref_slice %arg2[%add3A_280, %dma_start3A_284] : memref<8192x1024xf32, #tpu.memory_space<hbm>> -> memref<56x1024xf32, #tpu.memory_space<hbm>>
    %dma_start3A_286 = arith.constant 0 : i32
    %dma_start3A_287 = arith.constant 0 : i32
    %dma_start3A_288 = tpu.memref_slice %arg5[%dma_start3A_286, %dma_start3A_287] : memref<56x1024xf32, #tpu.memory_space<vmem>> -> memref<56x1024xf32, #tpu.memory_space<vmem>>
    %dma_start3A_289 = arith.constant 0 : i32
    %dma_start3A_290 = tpu.memref_slice %arg2[%add3A_280, %dma_start3A_289] : memref<8192x1024xf32, #tpu.memory_space<hbm>> -> memref<56x1024xf32, #tpu.memory_space<hbm>>
    tpu.enqueue_dma source(%dma_start3A_290 : memref<56x1024xf32, #tpu.memory_space<hbm>>) target(%dma_start3A_288 : memref<56x1024xf32, #tpu.memory_space<vmem>>) target_semaphore(%arg6 : memref<!tpu.dma_semaphore, #tpu.memory_space<semaphore_mem>>)
    %add3A_291 = arith.constant 120 : i32
    %add3A_292 = arith.addi %mul3A_2, %add3A_291 : i32
    %dma_start3A_293 = arith.constant 0 : i32
    %dma_start3A_294 = arith.constant 0 : i32
    %dma_start3A_295 = arith.constant 0 : i32
    %dma_start3A_296 = tpu.memref_slice %arg4[%dma_start3A_294, %dma_start3A_295] : memref<64x1024xf32, #tpu.memory_space<vmem>> -> memref<64x1024xf32, #tpu.memory_space<vmem>>
    %dma_start3A_297 = arith.constant 0 : i32
    %dma_start3A_298 = tpu.memref_slice %arg3[%dma_start3A_293, %add3A_292, %dma_start3A_297] : memref<4x8192x1024xf32, #tpu.memory_space<hbm>> -> memref<1x64x1024xf32, #tpu.memory_space<hbm>>
    %dma_start3A_299 = tpu.memref_squeeze %dma_start3A_298 : memref<1x64x1024xf32, #tpu.memory_space<hbm>> -> memref<64x1024xf32, #tpu.memory_space<hbm>>
    %dma_start3A_300 = arith.constant 0 : i32
    %dma_start3A_301 = tpu.memref_slice %arg3[%dma_start3A_293, %add3A_292, %dma_start3A_300] : memref<4x8192x1024xf32, #tpu.memory_space<hbm>> -> memref<1x64x1024xf32, #tpu.memory_space<hbm>>
    %dma_start3A_302 = tpu.memref_squeeze %dma_start3A_301 : memref<1x64x1024xf32, #tpu.memory_space<hbm>> -> memref<64x1024xf32, #tpu.memory_space<hbm>>
    %dma_start3A_303 = arith.constant 0 : i32
    %dma_start3A_304 = arith.constant 0 : i32
    %dma_start3A_305 = tpu.memref_slice %arg4[%dma_start3A_303, %dma_start3A_304] : memref<64x1024xf32, #tpu.memory_space<vmem>> -> memref<64x1024xf32, #tpu.memory_space<vmem>>
    tpu.enqueue_dma source(%dma_start3A_305 : memref<64x1024xf32, #tpu.memory_space<vmem>>) target(%dma_start3A_302 : memref<64x1024xf32, #tpu.memory_space<hbm>>) target_semaphore(%arg7 : memref<!tpu.dma_semaphore, #tpu.memory_space<semaphore_mem>>)
    %dma_start3A_306 = arith.constant 1 : i32
    %dma_start3A_307 = arith.constant 0 : i32
    %dma_start3A_308 = arith.constant 0 : i32
    %dma_start3A_309 = tpu.memref_slice %arg4[%dma_start3A_307, %dma_start3A_308] : memref<64x1024xf32, #tpu.memory_space<vmem>> -> memref<64x1024xf32, #tpu.memory_space<vmem>>
    %dma_start3A_310 = arith.constant 0 : i32
    %dma_start3A_311 = tpu.memref_slice %arg3[%dma_start3A_306, %add3A_292, %dma_start3A_310] : memref<4x8192x1024xf32, #tpu.memory_space<hbm>> -> memref<1x64x1024xf32, #tpu.memory_space<hbm>>
    %dma_start3A_312 = tpu.memref_squeeze %dma_start3A_311 : memref<1x64x1024xf32, #tpu.memory_space<hbm>> -> memref<64x1024xf32, #tpu.memory_space<hbm>>
    %dma_start3A_313 = arith.constant 0 : i32
    %dma_start3A_314 = tpu.memref_slice %arg3[%dma_start3A_306, %add3A_292, %dma_start3A_313] : memref<4x8192x1024xf32, #tpu.memory_space<hbm>> -> memref<1x64x1024xf32, #tpu.memory_space<hbm>>
    %dma_start3A_315 = tpu.memref_squeeze %dma_start3A_314 : memref<1x64x1024xf32, #tpu.memory_space<hbm>> -> memref<64x1024xf32, #tpu.memory_space<hbm>>
    %dma_start3A_316 = arith.constant 0 : i32
    %dma_start3A_317 = arith.constant 0 : i32
    %dma_start3A_318 = tpu.memref_slice %arg4[%dma_start3A_316, %dma_start3A_317] : memref<64x1024xf32, #tpu.memory_space<vmem>> -> memref<64x1024xf32, #tpu.memory_space<vmem>>
    tpu.enqueue_dma source(%dma_start3A_318 : memref<64x1024xf32, #tpu.memory_space<vmem>>) target(%dma_start3A_315 : memref<64x1024xf32, #tpu.memory_space<hbm>>) target_semaphore(%arg7 : memref<!tpu.dma_semaphore, #tpu.memory_space<semaphore_mem>>)
    %dma_start3A_319 = arith.constant 2 : i32
    %dma_start3A_320 = arith.constant 0 : i32
    %dma_start3A_321 = arith.constant 0 : i32
    %dma_start3A_322 = tpu.memref_slice %arg4[%dma_start3A_320, %dma_start3A_321] : memref<64x1024xf32, #tpu.memory_space<vmem>> -> memref<64x1024xf32, #tpu.memory_space<vmem>>
    %dma_start3A_323 = arith.constant 0 : i32
    %dma_start3A_324 = tpu.memref_slice %arg3[%dma_start3A_319, %add3A_292, %dma_start3A_323] : memref<4x8192x1024xf32, #tpu.memory_space<hbm>> -> memref<1x64x1024xf32, #tpu.memory_space<hbm>>
    %dma_start3A_325 = tpu.memref_squeeze %dma_start3A_324 : memref<1x64x1024xf32, #tpu.memory_space<hbm>> -> memref<64x1024xf32, #tpu.memory_space<hbm>>
    %dma_start3A_326 = arith.constant 0 : i32
    %dma_start3A_327 = tpu.memref_slice %arg3[%dma_start3A_319, %add3A_292, %dma_start3A_326] : memref<4x8192x1024xf32, #tpu.memory_space<hbm>> -> memref<1x64x1024xf32, #tpu.memory_space<hbm>>
    %dma_start3A_328 = tpu.memref_squeeze %dma_start3A_327 : memref<1x64x1024xf32, #tpu.memory_space<hbm>> -> memref<64x1024xf32, #tpu.memory_space<hbm>>
    %dma_start3A_329 = arith.constant 0 : i32
    %dma_start3A_330 = arith.constant 0 : i32
    %dma_start3A_331 = tpu.memref_slice %arg4[%dma_start3A_329, %dma_start3A_330] : memref<64x1024xf32, #tpu.memory_space<vmem>> -> memref<64x1024xf32, #tpu.memory_space<vmem>>
    tpu.enqueue_dma source(%dma_start3A_331 : memref<64x1024xf32, #tpu.memory_space<vmem>>) target(%dma_start3A_328 : memref<64x1024xf32, #tpu.memory_space<hbm>>) target_semaphore(%arg7 : memref<!tpu.dma_semaphore, #tpu.memory_space<semaphore_mem>>)
    %dma_start3A_332 = arith.constant 3 : i32
    %dma_start3A_333 = arith.constant 0 : i32
    %dma_start3A_334 = arith.constant 0 : i32
    %dma_start3A_335 = tpu.memref_slice %arg4[%dma_start3A_333, %dma_start3A_334] : memref<64x1024xf32, #tpu.memory_space<vmem>> -> memref<64x1024xf32, #tpu.memory_space<vmem>>
    %dma_start3A_336 = arith.constant 0 : i32
    %dma_start3A_337 = tpu.memref_slice %arg3[%dma_start3A_332, %add3A_292, %dma_start3A_336] : memref<4x8192x1024xf32, #tpu.memory_space<hbm>> -> memref<1x64x1024xf32, #tpu.memory_space<hbm>>
    %dma_start3A_338 = tpu.memref_squeeze %dma_start3A_337 : memref<1x64x1024xf32, #tpu.memory_space<hbm>> -> memref<64x1024xf32, #tpu.memory_space<hbm>>
    %dma_start3A_339 = arith.constant 0 : i32
    %dma_start3A_340 = tpu.memref_slice %arg3[%dma_start3A_332, %add3A_292, %dma_start3A_339] : memref<4x8192x1024xf32, #tpu.memory_space<hbm>> -> memref<1x64x1024xf32, #tpu.memory_space<hbm>>
    %dma_start3A_341 = tpu.memref_squeeze %dma_start3A_340 : memref<1x64x1024xf32, #tpu.memory_space<hbm>> -> memref<64x1024xf32, #tpu.memory_space<hbm>>
    %dma_start3A_342 = arith.constant 0 : i32
    %dma_start3A_343 = arith.constant 0 : i32
    %dma_start3A_344 = tpu.memref_slice %arg4[%dma_start3A_342, %dma_start3A_343] : memref<64x1024xf32, #tpu.memory_space<vmem>> -> memref<64x1024xf32, #tpu.memory_space<vmem>>
    tpu.enqueue_dma source(%dma_start3A_344 : memref<64x1024xf32, #tpu.memory_space<vmem>>) target(%dma_start3A_341 : memref<64x1024xf32, #tpu.memory_space<hbm>>) target_semaphore(%arg7 : memref<!tpu.dma_semaphore, #tpu.memory_space<semaphore_mem>>)
    %dma_wait3A_345 = arith.constant 0 : i32
    %dma_wait3A_346 = arith.constant 0 : i32
    %dma_wait3A_347 = tpu.memref_slice %arg5[%dma_wait3A_345, %dma_wait3A_346] : memref<56x1024xf32, #tpu.memory_space<vmem>> -> memref<56x1024xf32, #tpu.memory_space<vmem>>
    %dma_wait3A_348 = arith.constant 0 : i32
    %dma_wait3A_349 = tpu.memref_slice %arg2[%add3A_280, %dma_wait3A_348] : memref<8192x1024xf32, #tpu.memory_space<hbm>> -> memref<56x1024xf32, #tpu.memory_space<hbm>>
    %dma_wait3A_350 = arith.constant 0 : i32
    %dma_wait3A_351 = arith.constant 0 : i32
    %dma_wait3A_352 = tpu.memref_slice %arg5[%dma_wait3A_350, %dma_wait3A_351] : memref<56x1024xf32, #tpu.memory_space<vmem>> -> memref<56x1024xf32, #tpu.memory_space<vmem>>
    %dma_wait3A_353 = arith.constant 0 : i32
    %dma_wait3A_354 = tpu.memref_slice %arg2[%add3A_280, %dma_wait3A_353] : memref<8192x1024xf32, #tpu.memory_space<hbm>> -> memref<56x1024xf32, #tpu.memory_space<hbm>>
    tpu.wait_dma2 semaphore(%arg6 : memref<!tpu.dma_semaphore, #tpu.memory_space<semaphore_mem>>) src(%dma_wait3A_354 : memref<56x1024xf32, #tpu.memory_space<hbm>>) dst(%dma_wait3A_352 : memref<56x1024xf32, #tpu.memory_space<vmem>>)
    %dma_wait3A_355 = arith.constant 0 : i32
    %dma_wait3A_356 = arith.constant 0 : i32
    %dma_wait3A_357 = arith.constant 0 : i32
    %dma_wait3A_358 = tpu.memref_slice %arg4[%dma_wait3A_356, %dma_wait3A_357] : memref<64x1024xf32, #tpu.memory_space<vmem>> -> memref<64x1024xf32, #tpu.memory_space<vmem>>
    %dma_wait3A_359 = arith.constant 0 : i32
    %dma_wait3A_360 = tpu.memref_slice %arg3[%dma_wait3A_355, %add3A_292, %dma_wait3A_359] : memref<4x8192x1024xf32, #tpu.memory_space<hbm>> -> memref<1x64x1024xf32, #tpu.memory_space<hbm>>
    %dma_wait3A_361 = tpu.memref_squeeze %dma_wait3A_360 : memref<1x64x1024xf32, #tpu.memory_space<hbm>> -> memref<64x1024xf32, #tpu.memory_space<hbm>>
    %dma_wait3A_362 = arith.constant 0 : i32
    %dma_wait3A_363 = tpu.memref_slice %arg3[%dma_wait3A_355, %add3A_292, %dma_wait3A_362] : memref<4x8192x1024xf32, #tpu.memory_space<hbm>> -> memref<1x64x1024xf32, #tpu.memory_space<hbm>>
    %dma_wait3A_364 = tpu.memref_squeeze %dma_wait3A_363 : memref<1x64x1024xf32, #tpu.memory_space<hbm>> -> memref<64x1024xf32, #tpu.memory_space<hbm>>
    %dma_wait3A_365 = arith.constant 0 : i32
    %dma_wait3A_366 = arith.constant 0 : i32
    %dma_wait3A_367 = tpu.memref_slice %arg4[%dma_wait3A_365, %dma_wait3A_366] : memref<64x1024xf32, #tpu.memory_space<vmem>> -> memref<64x1024xf32, #tpu.memory_space<vmem>>
    tpu.wait_dma2 semaphore(%arg7 : memref<!tpu.dma_semaphore, #tpu.memory_space<semaphore_mem>>) src(%dma_wait3A_367 : memref<64x1024xf32, #tpu.memory_space<vmem>>) dst(%dma_wait3A_364 : memref<64x1024xf32, #tpu.memory_space<hbm>>)
    %dma_wait3A_368 = arith.constant 1 : i32
    %dma_wait3A_369 = arith.constant 0 : i32
    %dma_wait3A_370 = arith.constant 0 : i32
    %dma_wait3A_371 = tpu.memref_slice %arg4[%dma_wait3A_369, %dma_wait3A_370] : memref<64x1024xf32, #tpu.memory_space<vmem>> -> memref<64x1024xf32, #tpu.memory_space<vmem>>
    %dma_wait3A_372 = arith.constant 0 : i32
    %dma_wait3A_373 = tpu.memref_slice %arg3[%dma_wait3A_368, %add3A_292, %dma_wait3A_372] : memref<4x8192x1024xf32, #tpu.memory_space<hbm>> -> memref<1x64x1024xf32, #tpu.memory_space<hbm>>
    %dma_wait3A_374 = tpu.memref_squeeze %dma_wait3A_373 : memref<1x64x1024xf32, #tpu.memory_space<hbm>> -> memref<64x1024xf32, #tpu.memory_space<hbm>>
    %dma_wait3A_375 = arith.constant 0 : i32
    %dma_wait3A_376 = tpu.memref_slice %arg3[%dma_wait3A_368, %add3A_292, %dma_wait3A_375] : memref<4x8192x1024xf32, #tpu.memory_space<hbm>> -> memref<1x64x1024xf32, #tpu.memory_space<hbm>>
    %dma_wait3A_377 = tpu.memref_squeeze %dma_wait3A_376 : memref<1x64x1024xf32, #tpu.memory_space<hbm>> -> memref<64x1024xf32, #tpu.memory_space<hbm>>
    %dma_wait3A_378 = arith.constant 0 : i32
    %dma_wait3A_379 = arith.constant 0 : i32
    %dma_wait3A_380 = tpu.memref_slice %arg4[%dma_wait3A_378, %dma_wait3A_379] : memref<64x1024xf32, #tpu.memory_space<vmem>> -> memref<64x1024xf32, #tpu.memory_space<vmem>>
    tpu.wait_dma2 semaphore(%arg7 : memref<!tpu.dma_semaphore, #tpu.memory_space<semaphore_mem>>) src(%dma_wait3A_380 : memref<64x1024xf32, #tpu.memory_space<vmem>>) dst(%dma_wait3A_377 : memref<64x1024xf32, #tpu.memory_space<hbm>>)
    %dma_wait3A_381 = arith.constant 2 : i32
    %dma_wait3A_382 = arith.constant 0 : i32
    %dma_wait3A_383 = arith.constant 0 : i32
    %dma_wait3A_384 = tpu.memref_slice %arg4[%dma_wait3A_382, %dma_wait3A_383] : memref<64x1024xf32, #tpu.memory_space<vmem>> -> memref<64x1024xf32, #tpu.memory_space<vmem>>
    %dma_wait3A_385 = arith.constant 0 : i32
    %dma_wait3A_386 = tpu.memref_slice %arg3[%dma_wait3A_381, %add3A_292, %dma_wait3A_385] : memref<4x8192x1024xf32, #tpu.memory_space<hbm>> -> memref<1x64x1024xf32, #tpu.memory_space<hbm>>
    %dma_wait3A_387 = tpu.memref_squeeze %dma_wait3A_386 : memref<1x64x1024xf32, #tpu.memory_space<hbm>> -> memref<64x1024xf32, #tpu.memory_space<hbm>>
    %dma_wait3A_388 = arith.constant 0 : i32
    %dma_wait3A_389 = tpu.memref_slice %arg3[%dma_wait3A_381, %add3A_292, %dma_wait3A_388] : memref<4x8192x1024xf32, #tpu.memory_space<hbm>> -> memref<1x64x1024xf32, #tpu.memory_space<hbm>>
    %dma_wait3A_390 = tpu.memref_squeeze %dma_wait3A_389 : memref<1x64x1024xf32, #tpu.memory_space<hbm>> -> memref<64x1024xf32, #tpu.memory_space<hbm>>
    %dma_wait3A_391 = arith.constant 0 : i32
    %dma_wait3A_392 = arith.constant 0 : i32
    %dma_wait3A_393 = tpu.memref_slice %arg4[%dma_wait3A_391, %dma_wait3A_392] : memref<64x1024xf32, #tpu.memory_space<vmem>> -> memref<64x1024xf32, #tpu.memory_space<vmem>>
    tpu.wait_dma2 semaphore(%arg7 : memref<!tpu.dma_semaphore, #tpu.memory_space<semaphore_mem>>) src(%dma_wait3A_393 : memref<64x1024xf32, #tpu.memory_space<vmem>>) dst(%dma_wait3A_390 : memref<64x1024xf32, #tpu.memory_space<hbm>>)
    %dma_wait3A_394 = arith.constant 3 : i32
    %dma_wait3A_395 = arith.constant 0 : i32
    %dma_wait3A_396 = arith.constant 0 : i32
    %dma_wait3A_397 = tpu.memref_slice %arg4[%dma_wait3A_395, %dma_wait3A_396] : memref<64x1024xf32, #tpu.memory_space<vmem>> -> memref<64x1024xf32, #tpu.memory_space<vmem>>
    %dma_wait3A_398 = arith.constant 0 : i32
    %dma_wait3A_399 = tpu.memref_slice %arg3[%dma_wait3A_394, %add3A_292, %dma_wait3A_398] : memref<4x8192x1024xf32, #tpu.memory_space<hbm>> -> memref<1x64x1024xf32, #tpu.memory_space<hbm>>
    %dma_wait3A_400 = tpu.memref_squeeze %dma_wait3A_399 : memref<1x64x1024xf32, #tpu.memory_space<hbm>> -> memref<64x1024xf32, #tpu.memory_space<hbm>>
    %dma_wait3A_401 = arith.constant 0 : i32
    %dma_wait3A_402 = tpu.memref_slice %arg3[%dma_wait3A_394, %add3A_292, %dma_wait3A_401] : memref<4x8192x1024xf32, #tpu.memory_space<hbm>> -> memref<1x64x1024xf32, #tpu.memory_space<hbm>>
    %dma_wait3A_403 = tpu.memref_squeeze %dma_wait3A_402 : memref<1x64x1024xf32, #tpu.memory_space<hbm>> -> memref<64x1024xf32, #tpu.memory_space<hbm>>
    %dma_wait3A_404 = arith.constant 0 : i32
    %dma_wait3A_405 = arith.constant 0 : i32
    %dma_wait3A_406 = tpu.memref_slice %arg4[%dma_wait3A_404, %dma_wait3A_405] : memref<64x1024xf32, #tpu.memory_space<vmem>> -> memref<64x1024xf32, #tpu.memory_space<vmem>>
    tpu.wait_dma2 semaphore(%arg7 : memref<!tpu.dma_semaphore, #tpu.memory_space<semaphore_mem>>) src(%dma_wait3A_406 : memref<64x1024xf32, #tpu.memory_space<vmem>>) dst(%dma_wait3A_403 : memref<64x1024xf32, #tpu.memory_space<hbm>>)
    %add3A_407 = arith.constant 240 : i32
    %add3A_408 = arith.addi %mul3A_2, %add3A_407 : i32
    %dma_start3A_409 = arith.constant 0 : i32
    %dma_start3A_410 = arith.constant 0 : i32
    %dma_start3A_411 = tpu.memref_slice %arg4[%dma_start3A_409, %dma_start3A_410] : memref<64x1024xf32, #tpu.memory_space<vmem>> -> memref<16x1024xf32, #tpu.memory_space<vmem>>
    %dma_start3A_412 = arith.constant 0 : i32
    %dma_start3A_413 = tpu.memref_slice %arg2[%add3A_408, %dma_start3A_412] : memref<8192x1024xf32, #tpu.memory_space<hbm>> -> memref<16x1024xf32, #tpu.memory_space<hbm>>
    %dma_start3A_414 = arith.constant 0 : i32
    %dma_start3A_415 = arith.constant 0 : i32
    %dma_start3A_416 = tpu.memref_slice %arg4[%dma_start3A_414, %dma_start3A_415] : memref<64x1024xf32, #tpu.memory_space<vmem>> -> memref<16x1024xf32, #tpu.memory_space<vmem>>
    %dma_start3A_417 = arith.constant 0 : i32
    %dma_start3A_418 = tpu.memref_slice %arg2[%add3A_408, %dma_start3A_417] : memref<8192x1024xf32, #tpu.memory_space<hbm>> -> memref<16x1024xf32, #tpu.memory_space<hbm>>
    tpu.enqueue_dma source(%dma_start3A_418 : memref<16x1024xf32, #tpu.memory_space<hbm>>) target(%dma_start3A_416 : memref<16x1024xf32, #tpu.memory_space<vmem>>) target_semaphore(%arg6 : memref<!tpu.dma_semaphore, #tpu.memory_space<semaphore_mem>>)
    %add3A_419 = arith.constant 184 : i32
    %add3A_420 = arith.addi %mul3A_2, %add3A_419 : i32
    %dma_start3A_421 = arith.constant 0 : i32
    %dma_start3A_422 = arith.constant 0 : i32
    %dma_start3A_423 = arith.constant 0 : i32
    %dma_start3A_424 = tpu.memref_slice %arg5[%dma_start3A_422, %dma_start3A_423] : memref<56x1024xf32, #tpu.memory_space<vmem>> -> memref<56x1024xf32, #tpu.memory_space<vmem>>
    %dma_start3A_425 = arith.constant 0 : i32
    %dma_start3A_426 = tpu.memref_slice %arg3[%dma_start3A_421, %add3A_420, %dma_start3A_425] : memref<4x8192x1024xf32, #tpu.memory_space<hbm>> -> memref<1x56x1024xf32, #tpu.memory_space<hbm>>
    %dma_start3A_427 = tpu.memref_squeeze %dma_start3A_426 : memref<1x56x1024xf32, #tpu.memory_space<hbm>> -> memref<56x1024xf32, #tpu.memory_space<hbm>>
    %dma_start3A_428 = arith.constant 0 : i32
    %dma_start3A_429 = tpu.memref_slice %arg3[%dma_start3A_421, %add3A_420, %dma_start3A_428] : memref<4x8192x1024xf32, #tpu.memory_space<hbm>> -> memref<1x56x1024xf32, #tpu.memory_space<hbm>>
    %dma_start3A_430 = tpu.memref_squeeze %dma_start3A_429 : memref<1x56x1024xf32, #tpu.memory_space<hbm>> -> memref<56x1024xf32, #tpu.memory_space<hbm>>
    %dma_start3A_431 = arith.constant 0 : i32
    %dma_start3A_432 = arith.constant 0 : i32
    %dma_start3A_433 = tpu.memref_slice %arg5[%dma_start3A_431, %dma_start3A_432] : memref<56x1024xf32, #tpu.memory_space<vmem>> -> memref<56x1024xf32, #tpu.memory_space<vmem>>
    tpu.enqueue_dma source(%dma_start3A_433 : memref<56x1024xf32, #tpu.memory_space<vmem>>) target(%dma_start3A_430 : memref<56x1024xf32, #tpu.memory_space<hbm>>) target_semaphore(%arg8 : memref<!tpu.dma_semaphore, #tpu.memory_space<semaphore_mem>>)
    %dma_start3A_434 = arith.constant 1 : i32
    %dma_start3A_435 = arith.constant 0 : i32
    %dma_start3A_436 = arith.constant 0 : i32
    %dma_start3A_437 = tpu.memref_slice %arg5[%dma_start3A_435, %dma_start3A_436] : memref<56x1024xf32, #tpu.memory_space<vmem>> -> memref<56x1024xf32, #tpu.memory_space<vmem>>
    %dma_start3A_438 = arith.constant 0 : i32
    %dma_start3A_439 = tpu.memref_slice %arg3[%dma_start3A_434, %add3A_420, %dma_start3A_438] : memref<4x8192x1024xf32, #tpu.memory_space<hbm>> -> memref<1x56x1024xf32, #tpu.memory_space<hbm>>
    %dma_start3A_440 = tpu.memref_squeeze %dma_start3A_439 : memref<1x56x1024xf32, #tpu.memory_space<hbm>> -> memref<56x1024xf32, #tpu.memory_space<hbm>>
    %dma_start3A_441 = arith.constant 0 : i32
    %dma_start3A_442 = tpu.memref_slice %arg3[%dma_start3A_434, %add3A_420, %dma_start3A_441] : memref<4x8192x1024xf32, #tpu.memory_space<hbm>> -> memref<1x56x1024xf32, #tpu.memory_space<hbm>>
    %dma_start3A_443 = tpu.memref_squeeze %dma_start3A_442 : memref<1x56x1024xf32, #tpu.memory_space<hbm>> -> memref<56x1024xf32, #tpu.memory_space<hbm>>
    %dma_start3A_444 = arith.constant 0 : i32
    %dma_start3A_445 = arith.constant 0 : i32
    %dma_start3A_446 = tpu.memref_slice %arg5[%dma_start3A_444, %dma_start3A_445] : memref<56x1024xf32, #tpu.memory_space<vmem>> -> memref<56x1024xf32, #tpu.memory_space<vmem>>
    tpu.enqueue_dma source(%dma_start3A_446 : memref<56x1024xf32, #tpu.memory_space<vmem>>) target(%dma_start3A_443 : memref<56x1024xf32, #tpu.memory_space<hbm>>) target_semaphore(%arg8 : memref<!tpu.dma_semaphore, #tpu.memory_space<semaphore_mem>>)
    %dma_start3A_447 = arith.constant 2 : i32
    %dma_start3A_448 = arith.constant 0 : i32
    %dma_start3A_449 = arith.constant 0 : i32
    %dma_start3A_450 = tpu.memref_slice %arg5[%dma_start3A_448, %dma_start3A_449] : memref<56x1024xf32, #tpu.memory_space<vmem>> -> memref<56x1024xf32, #tpu.memory_space<vmem>>
    %dma_start3A_451 = arith.constant 0 : i32
    %dma_start3A_452 = tpu.memref_slice %arg3[%dma_start3A_447, %add3A_420, %dma_start3A_451] : memref<4x8192x1024xf32, #tpu.memory_space<hbm>> -> memref<1x56x1024xf32, #tpu.memory_space<hbm>>
    %dma_start3A_453 = tpu.memref_squeeze %dma_start3A_452 : memref<1x56x1024xf32, #tpu.memory_space<hbm>> -> memref<56x1024xf32, #tpu.memory_space<hbm>>
    %dma_start3A_454 = arith.constant 0 : i32
    %dma_start3A_455 = tpu.memref_slice %arg3[%dma_start3A_447, %add3A_420, %dma_start3A_454] : memref<4x8192x1024xf32, #tpu.memory_space<hbm>> -> memref<1x56x1024xf32, #tpu.memory_space<hbm>>
    %dma_start3A_456 = tpu.memref_squeeze %dma_start3A_455 : memref<1x56x1024xf32, #tpu.memory_space<hbm>> -> memref<56x1024xf32, #tpu.memory_space<hbm>>
    %dma_start3A_457 = arith.constant 0 : i32
    %dma_start3A_458 = arith.constant 0 : i32
    %dma_start3A_459 = tpu.memref_slice %arg5[%dma_start3A_457, %dma_start3A_458] : memref<56x1024xf32, #tpu.memory_space<vmem>> -> memref<56x1024xf32, #tpu.memory_space<vmem>>
    tpu.enqueue_dma source(%dma_start3A_459 : memref<56x1024xf32, #tpu.memory_space<vmem>>) target(%dma_start3A_456 : memref<56x1024xf32, #tpu.memory_space<hbm>>) target_semaphore(%arg8 : memref<!tpu.dma_semaphore, #tpu.memory_space<semaphore_mem>>)
    %dma_start3A_460 = arith.constant 3 : i32
    %dma_start3A_461 = arith.constant 0 : i32
    %dma_start3A_462 = arith.constant 0 : i32
    %dma_start3A_463 = tpu.memref_slice %arg5[%dma_start3A_461, %dma_start3A_462] : memref<56x1024xf32, #tpu.memory_space<vmem>> -> memref<56x1024xf32, #tpu.memory_space<vmem>>
    %dma_start3A_464 = arith.constant 0 : i32
    %dma_start3A_465 = tpu.memref_slice %arg3[%dma_start3A_460, %add3A_420, %dma_start3A_464] : memref<4x8192x1024xf32, #tpu.memory_space<hbm>> -> memref<1x56x1024xf32, #tpu.memory_space<hbm>>
    %dma_start3A_466 = tpu.memref_squeeze %dma_start3A_465 : memref<1x56x1024xf32, #tpu.memory_space<hbm>> -> memref<56x1024xf32, #tpu.memory_space<hbm>>
    %dma_start3A_467 = arith.constant 0 : i32
    %dma_start3A_468 = tpu.memref_slice %arg3[%dma_start3A_460, %add3A_420, %dma_start3A_467] : memref<4x8192x1024xf32, #tpu.memory_space<hbm>> -> memref<1x56x1024xf32, #tpu.memory_space<hbm>>
    %dma_start3A_469 = tpu.memref_squeeze %dma_start3A_468 : memref<1x56x1024xf32, #tpu.memory_space<hbm>> -> memref<56x1024xf32, #tpu.memory_space<hbm>>
    %dma_start3A_470 = arith.constant 0 : i32
    %dma_start3A_471 = arith.constant 0 : i32
    %dma_start3A_472 = tpu.memref_slice %arg5[%dma_start3A_470, %dma_start3A_471] : memref<56x1024xf32, #tpu.memory_space<vmem>> -> memref<56x1024xf32, #tpu.memory_space<vmem>>
    tpu.enqueue_dma source(%dma_start3A_472 : memref<56x1024xf32, #tpu.memory_space<vmem>>) target(%dma_start3A_469 : memref<56x1024xf32, #tpu.memory_space<hbm>>) target_semaphore(%arg8 : memref<!tpu.dma_semaphore, #tpu.memory_space<semaphore_mem>>)
    %dma_wait3A_473 = arith.constant 0 : i32
    %dma_wait3A_474 = arith.constant 0 : i32
    %dma_wait3A_475 = tpu.memref_slice %arg4[%dma_wait3A_473, %dma_wait3A_474] : memref<64x1024xf32, #tpu.memory_space<vmem>> -> memref<16x1024xf32, #tpu.memory_space<vmem>>
    %dma_wait3A_476 = arith.constant 0 : i32
    %dma_wait3A_477 = tpu.memref_slice %arg2[%add3A_408, %dma_wait3A_476] : memref<8192x1024xf32, #tpu.memory_space<hbm>> -> memref<16x1024xf32, #tpu.memory_space<hbm>>
    %dma_wait3A_478 = arith.constant 0 : i32
    %dma_wait3A_479 = arith.constant 0 : i32
    %dma_wait3A_480 = tpu.memref_slice %arg4[%dma_wait3A_478, %dma_wait3A_479] : memref<64x1024xf32, #tpu.memory_space<vmem>> -> memref<16x1024xf32, #tpu.memory_space<vmem>>
    %dma_wait3A_481 = arith.constant 0 : i32
    %dma_wait3A_482 = tpu.memref_slice %arg2[%add3A_408, %dma_wait3A_481] : memref<8192x1024xf32, #tpu.memory_space<hbm>> -> memref<16x1024xf32, #tpu.memory_space<hbm>>
    tpu.wait_dma2 semaphore(%arg6 : memref<!tpu.dma_semaphore, #tpu.memory_space<semaphore_mem>>) src(%dma_wait3A_482 : memref<16x1024xf32, #tpu.memory_space<hbm>>) dst(%dma_wait3A_480 : memref<16x1024xf32, #tpu.memory_space<vmem>>)
    %add3A_483 = arith.constant 240 : i32
    %add3A_484 = arith.addi %mul3A_2, %add3A_483 : i32
    %dma_start3A_485 = arith.constant 0 : i32
    %dma_start3A_486 = arith.constant 0 : i32
    %dma_start3A_487 = arith.constant 0 : i32
    %dma_start3A_488 = tpu.memref_slice %arg4[%dma_start3A_486, %dma_start3A_487] : memref<64x1024xf32, #tpu.memory_space<vmem>> -> memref<16x1024xf32, #tpu.memory_space<vmem>>
    %dma_start3A_489 = arith.constant 0 : i32
    %dma_start3A_490 = tpu.memref_slice %arg3[%dma_start3A_485, %add3A_484, %dma_start3A_489] : memref<4x8192x1024xf32, #tpu.memory_space<hbm>> -> memref<1x16x1024xf32, #tpu.memory_space<hbm>>
    %dma_start3A_491 = tpu.memref_squeeze %dma_start3A_490 : memref<1x16x1024xf32, #tpu.memory_space<hbm>> -> memref<16x1024xf32, #tpu.memory_space<hbm>>
    %dma_start3A_492 = arith.constant 0 : i32
    %dma_start3A_493 = tpu.memref_slice %arg3[%dma_start3A_485, %add3A_484, %dma_start3A_492] : memref<4x8192x1024xf32, #tpu.memory_space<hbm>> -> memref<1x16x1024xf32, #tpu.memory_space<hbm>>
    %dma_start3A_494 = tpu.memref_squeeze %dma_start3A_493 : memref<1x16x1024xf32, #tpu.memory_space<hbm>> -> memref<16x1024xf32, #tpu.memory_space<hbm>>
    %dma_start3A_495 = arith.constant 0 : i32
    %dma_start3A_496 = arith.constant 0 : i32
    %dma_start3A_497 = tpu.memref_slice %arg4[%dma_start3A_495, %dma_start3A_496] : memref<64x1024xf32, #tpu.memory_space<vmem>> -> memref<16x1024xf32, #tpu.memory_space<vmem>>
    tpu.enqueue_dma source(%dma_start3A_497 : memref<16x1024xf32, #tpu.memory_space<vmem>>) target(%dma_start3A_494 : memref<16x1024xf32, #tpu.memory_space<hbm>>) target_semaphore(%arg7 : memref<!tpu.dma_semaphore, #tpu.memory_space<semaphore_mem>>)
    %dma_start3A_498 = arith.constant 1 : i32
    %dma_start3A_499 = arith.constant 0 : i32
    %dma_start3A_500 = arith.constant 0 : i32
    %dma_start3A_501 = tpu.memref_slice %arg4[%dma_start3A_499, %dma_start3A_500] : memref<64x1024xf32, #tpu.memory_space<vmem>> -> memref<16x1024xf32, #tpu.memory_space<vmem>>
    %dma_start3A_502 = arith.constant 0 : i32
    %dma_start3A_503 = tpu.memref_slice %arg3[%dma_start3A_498, %add3A_484, %dma_start3A_502] : memref<4x8192x1024xf32, #tpu.memory_space<hbm>> -> memref<1x16x1024xf32, #tpu.memory_space<hbm>>
    %dma_start3A_504 = tpu.memref_squeeze %dma_start3A_503 : memref<1x16x1024xf32, #tpu.memory_space<hbm>> -> memref<16x1024xf32, #tpu.memory_space<hbm>>
    %dma_start3A_505 = arith.constant 0 : i32
    %dma_start3A_506 = tpu.memref_slice %arg3[%dma_start3A_498, %add3A_484, %dma_start3A_505] : memref<4x8192x1024xf32, #tpu.memory_space<hbm>> -> memref<1x16x1024xf32, #tpu.memory_space<hbm>>
    %dma_start3A_507 = tpu.memref_squeeze %dma_start3A_506 : memref<1x16x1024xf32, #tpu.memory_space<hbm>> -> memref<16x1024xf32, #tpu.memory_space<hbm>>
    %dma_start3A_508 = arith.constant 0 : i32
    %dma_start3A_509 = arith.constant 0 : i32
    %dma_start3A_510 = tpu.memref_slice %arg4[%dma_start3A_508, %dma_start3A_509] : memref<64x1024xf32, #tpu.memory_space<vmem>> -> memref<16x1024xf32, #tpu.memory_space<vmem>>
    tpu.enqueue_dma source(%dma_start3A_510 : memref<16x1024xf32, #tpu.memory_space<vmem>>) target(%dma_start3A_507 : memref<16x1024xf32, #tpu.memory_space<hbm>>) target_semaphore(%arg7 : memref<!tpu.dma_semaphore, #tpu.memory_space<semaphore_mem>>)
    %dma_start3A_511 = arith.constant 2 : i32
    %dma_start3A_512 = arith.constant 0 : i32
    %dma_start3A_513 = arith.constant 0 : i32
    %dma_start3A_514 = tpu.memref_slice %arg4[%dma_start3A_512, %dma_start3A_513] : memref<64x1024xf32, #tpu.memory_space<vmem>> -> memref<16x1024xf32, #tpu.memory_space<vmem>>
    %dma_start3A_515 = arith.constant 0 : i32
    %dma_start3A_516 = tpu.memref_slice %arg3[%dma_start3A_511, %add3A_484, %dma_start3A_515] : memref<4x8192x1024xf32, #tpu.memory_space<hbm>> -> memref<1x16x1024xf32, #tpu.memory_space<hbm>>
    %dma_start3A_517 = tpu.memref_squeeze %dma_start3A_516 : memref<1x16x1024xf32, #tpu.memory_space<hbm>> -> memref<16x1024xf32, #tpu.memory_space<hbm>>
    %dma_start3A_518 = arith.constant 0 : i32
    %dma_start3A_519 = tpu.memref_slice %arg3[%dma_start3A_511, %add3A_484, %dma_start3A_518] : memref<4x8192x1024xf32, #tpu.memory_space<hbm>> -> memref<1x16x1024xf32, #tpu.memory_space<hbm>>
    %dma_start3A_520 = tpu.memref_squeeze %dma_start3A_519 : memref<1x16x1024xf32, #tpu.memory_space<hbm>> -> memref<16x1024xf32, #tpu.memory_space<hbm>>
    %dma_start3A_521 = arith.constant 0 : i32
    %dma_start3A_522 = arith.constant 0 : i32
    %dma_start3A_523 = tpu.memref_slice %arg4[%dma_start3A_521, %dma_start3A_522] : memref<64x1024xf32, #tpu.memory_space<vmem>> -> memref<16x1024xf32, #tpu.memory_space<vmem>>
    tpu.enqueue_dma source(%dma_start3A_523 : memref<16x1024xf32, #tpu.memory_space<vmem>>) target(%dma_start3A_520 : memref<16x1024xf32, #tpu.memory_space<hbm>>) target_semaphore(%arg7 : memref<!tpu.dma_semaphore, #tpu.memory_space<semaphore_mem>>)
    %dma_start3A_524 = arith.constant 3 : i32
    %dma_start3A_525 = arith.constant 0 : i32
    %dma_start3A_526 = arith.constant 0 : i32
    %dma_start3A_527 = tpu.memref_slice %arg4[%dma_start3A_525, %dma_start3A_526] : memref<64x1024xf32, #tpu.memory_space<vmem>> -> memref<16x1024xf32, #tpu.memory_space<vmem>>
    %dma_start3A_528 = arith.constant 0 : i32
    %dma_start3A_529 = tpu.memref_slice %arg3[%dma_start3A_524, %add3A_484, %dma_start3A_528] : memref<4x8192x1024xf32, #tpu.memory_space<hbm>> -> memref<1x16x1024xf32, #tpu.memory_space<hbm>>
    %dma_start3A_530 = tpu.memref_squeeze %dma_start3A_529 : memref<1x16x1024xf32, #tpu.memory_space<hbm>> -> memref<16x1024xf32, #tpu.memory_space<hbm>>
    %dma_start3A_531 = arith.constant 0 : i32
    %dma_start3A_532 = tpu.memref_slice %arg3[%dma_start3A_524, %add3A_484, %dma_start3A_531] : memref<4x8192x1024xf32, #tpu.memory_space<hbm>> -> memref<1x16x1024xf32, #tpu.memory_space<hbm>>
    %dma_start3A_533 = tpu.memref_squeeze %dma_start3A_532 : memref<1x16x1024xf32, #tpu.memory_space<hbm>> -> memref<16x1024xf32, #tpu.memory_space<hbm>>
    %dma_start3A_534 = arith.constant 0 : i32
    %dma_start3A_535 = arith.constant 0 : i32
    %dma_start3A_536 = tpu.memref_slice %arg4[%dma_start3A_534, %dma_start3A_535] : memref<64x1024xf32, #tpu.memory_space<vmem>> -> memref<16x1024xf32, #tpu.memory_space<vmem>>
    tpu.enqueue_dma source(%dma_start3A_536 : memref<16x1024xf32, #tpu.memory_space<vmem>>) target(%dma_start3A_533 : memref<16x1024xf32, #tpu.memory_space<hbm>>) target_semaphore(%arg7 : memref<!tpu.dma_semaphore, #tpu.memory_space<semaphore_mem>>)
    %dma_wait3A_537 = arith.constant 0 : i32
    %dma_wait3A_538 = arith.constant 0 : i32
    %dma_wait3A_539 = arith.constant 0 : i32
    %dma_wait3A_540 = tpu.memref_slice %arg4[%dma_wait3A_538, %dma_wait3A_539] : memref<64x1024xf32, #tpu.memory_space<vmem>> -> memref<16x1024xf32, #tpu.memory_space<vmem>>
    %dma_wait3A_541 = arith.constant 0 : i32
    %dma_wait3A_542 = tpu.memref_slice %arg3[%dma_wait3A_537, %add3A_484, %dma_wait3A_541] : memref<4x8192x1024xf32, #tpu.memory_space<hbm>> -> memref<1x16x1024xf32, #tpu.memory_space<hbm>>
    %dma_wait3A_543 = tpu.memref_squeeze %dma_wait3A_542 : memref<1x16x1024xf32, #tpu.memory_space<hbm>> -> memref<16x1024xf32, #tpu.memory_space<hbm>>
    %dma_wait3A_544 = arith.constant 0 : i32
    %dma_wait3A_545 = tpu.memref_slice %arg3[%dma_wait3A_537, %add3A_484, %dma_wait3A_544] : memref<4x8192x1024xf32, #tpu.memory_space<hbm>> -> memref<1x16x1024xf32, #tpu.memory_space<hbm>>
    %dma_wait3A_546 = tpu.memref_squeeze %dma_wait3A_545 : memref<1x16x1024xf32, #tpu.memory_space<hbm>> -> memref<16x1024xf32, #tpu.memory_space<hbm>>
    %dma_wait3A_547 = arith.constant 0 : i32
    %dma_wait3A_548 = arith.constant 0 : i32
    %dma_wait3A_549 = tpu.memref_slice %arg4[%dma_wait3A_547, %dma_wait3A_548] : memref<64x1024xf32, #tpu.memory_space<vmem>> -> memref<16x1024xf32, #tpu.memory_space<vmem>>
    tpu.wait_dma2 semaphore(%arg7 : memref<!tpu.dma_semaphore, #tpu.memory_space<semaphore_mem>>) src(%dma_wait3A_549 : memref<16x1024xf32, #tpu.memory_space<vmem>>) dst(%dma_wait3A_546 : memref<16x1024xf32, #tpu.memory_space<hbm>>)
    %dma_wait3A_550 = arith.constant 1 : i32
    %dma_wait3A_551 = arith.constant 0 : i32
    %dma_wait3A_552 = arith.constant 0 : i32
    %dma_wait3A_553 = tpu.memref_slice %arg4[%dma_wait3A_551, %dma_wait3A_552] : memref<64x1024xf32, #tpu.memory_space<vmem>> -> memref<16x1024xf32, #tpu.memory_space<vmem>>
    %dma_wait3A_554 = arith.constant 0 : i32
    %dma_wait3A_555 = tpu.memref_slice %arg3[%dma_wait3A_550, %add3A_484, %dma_wait3A_554] : memref<4x8192x1024xf32, #tpu.memory_space<hbm>> -> memref<1x16x1024xf32, #tpu.memory_space<hbm>>
    %dma_wait3A_556 = tpu.memref_squeeze %dma_wait3A_555 : memref<1x16x1024xf32, #tpu.memory_space<hbm>> -> memref<16x1024xf32, #tpu.memory_space<hbm>>
    %dma_wait3A_557 = arith.constant 0 : i32
    %dma_wait3A_558 = tpu.memref_slice %arg3[%dma_wait3A_550, %add3A_484, %dma_wait3A_557] : memref<4x8192x1024xf32, #tpu.memory_space<hbm>> -> memref<1x16x1024xf32, #tpu.memory_space<hbm>>
    %dma_wait3A_559 = tpu.memref_squeeze %dma_wait3A_558 : memref<1x16x1024xf32, #tpu.memory_space<hbm>> -> memref<16x1024xf32, #tpu.memory_space<hbm>>
    %dma_wait3A_560 = arith.constant 0 : i32
    %dma_wait3A_561 = arith.constant 0 : i32
    %dma_wait3A_562 = tpu.memref_slice %arg4[%dma_wait3A_560, %dma_wait3A_561] : memref<64x1024xf32, #tpu.memory_space<vmem>> -> memref<16x1024xf32, #tpu.memory_space<vmem>>
    tpu.wait_dma2 semaphore(%arg7 : memref<!tpu.dma_semaphore, #tpu.memory_space<semaphore_mem>>) src(%dma_wait3A_562 : memref<16x1024xf32, #tpu.memory_space<vmem>>) dst(%dma_wait3A_559 : memref<16x1024xf32, #tpu.memory_space<hbm>>)
    %dma_wait3A_563 = arith.constant 2 : i32
    %dma_wait3A_564 = arith.constant 0 : i32
    %dma_wait3A_565 = arith.constant 0 : i32
    %dma_wait3A_566 = tpu.memref_slice %arg4[%dma_wait3A_564, %dma_wait3A_565] : memref<64x1024xf32, #tpu.memory_space<vmem>> -> memref<16x1024xf32, #tpu.memory_space<vmem>>
    %dma_wait3A_567 = arith.constant 0 : i32
    %dma_wait3A_568 = tpu.memref_slice %arg3[%dma_wait3A_563, %add3A_484, %dma_wait3A_567] : memref<4x8192x1024xf32, #tpu.memory_space<hbm>> -> memref<1x16x1024xf32, #tpu.memory_space<hbm>>
    %dma_wait3A_569 = tpu.memref_squeeze %dma_wait3A_568 : memref<1x16x1024xf32, #tpu.memory_space<hbm>> -> memref<16x1024xf32, #tpu.memory_space<hbm>>
    %dma_wait3A_570 = arith.constant 0 : i32
    %dma_wait3A_571 = tpu.memref_slice %arg3[%dma_wait3A_563, %add3A_484, %dma_wait3A_570] : memref<4x8192x1024xf32, #tpu.memory_space<hbm>> -> memref<1x16x1024xf32, #tpu.memory_space<hbm>>
    %dma_wait3A_572 = tpu.memref_squeeze %dma_wait3A_571 : memref<1x16x1024xf32, #tpu.memory_space<hbm>> -> memref<16x1024xf32, #tpu.memory_space<hbm>>
    %dma_wait3A_573 = arith.constant 0 : i32
    %dma_wait3A_574 = arith.constant 0 : i32
    %dma_wait3A_575 = tpu.memref_slice %arg4[%dma_wait3A_573, %dma_wait3A_574] : memref<64x1024xf32, #tpu.memory_space<vmem>> -> memref<16x1024xf32, #tpu.memory_space<vmem>>
    tpu.wait_dma2 semaphore(%arg7 : memref<!tpu.dma_semaphore, #tpu.memory_space<semaphore_mem>>) src(%dma_wait3A_575 : memref<16x1024xf32, #tpu.memory_space<vmem>>) dst(%dma_wait3A_572 : memref<16x1024xf32, #tpu.memory_space<hbm>>)
    %dma_wait3A_576 = arith.constant 3 : i32
    %dma_wait3A_577 = arith.constant 0 : i32
    %dma_wait3A_578 = arith.constant 0 : i32
    %dma_wait3A_579 = tpu.memref_slice %arg4[%dma_wait3A_577, %dma_wait3A_578] : memref<64x1024xf32, #tpu.memory_space<vmem>> -> memref<16x1024xf32, #tpu.memory_space<vmem>>
    %dma_wait3A_580 = arith.constant 0 : i32
    %dma_wait3A_581 = tpu.memref_slice %arg3[%dma_wait3A_576, %add3A_484, %dma_wait3A_580] : memref<4x8192x1024xf32, #tpu.memory_space<hbm>> -> memref<1x16x1024xf32, #tpu.memory_space<hbm>>
    %dma_wait3A_582 = tpu.memref_squeeze %dma_wait3A_581 : memref<1x16x1024xf32, #tpu.memory_space<hbm>> -> memref<16x1024xf32, #tpu.memory_space<hbm>>
    %dma_wait3A_583 = arith.constant 0 : i32
    %dma_wait3A_584 = tpu.memref_slice %arg3[%dma_wait3A_576, %add3A_484, %dma_wait3A_583] : memref<4x8192x1024xf32, #tpu.memory_space<hbm>> -> memref<1x16x1024xf32, #tpu.memory_space<hbm>>
    %dma_wait3A_585 = tpu.memref_squeeze %dma_wait3A_584 : memref<1x16x1024xf32, #tpu.memory_space<hbm>> -> memref<16x1024xf32, #tpu.memory_space<hbm>>
    %dma_wait3A_586 = arith.constant 0 : i32
    %dma_wait3A_587 = arith.constant 0 : i32
    %dma_wait3A_588 = tpu.memref_slice %arg4[%dma_wait3A_586, %dma_wait3A_587] : memref<64x1024xf32, #tpu.memory_space<vmem>> -> memref<16x1024xf32, #tpu.memory_space<vmem>>
    tpu.wait_dma2 semaphore(%arg7 : memref<!tpu.dma_semaphore, #tpu.memory_space<semaphore_mem>>) src(%dma_wait3A_588 : memref<16x1024xf32, #tpu.memory_space<vmem>>) dst(%dma_wait3A_585 : memref<16x1024xf32, #tpu.memory_space<hbm>>)
    %dma_wait3A_589 = arith.constant 0 : i32
    %dma_wait3A_590 = arith.constant 0 : i32
    %dma_wait3A_591 = arith.constant 0 : i32
    %dma_wait3A_592 = tpu.memref_slice %arg5[%dma_wait3A_590, %dma_wait3A_591] : memref<56x1024xf32, #tpu.memory_space<vmem>> -> memref<56x1024xf32, #tpu.memory_space<vmem>>
    %dma_wait3A_593 = arith.constant 0 : i32
    %dma_wait3A_594 = tpu.memref_slice %arg3[%dma_wait3A_589, %add3A_420, %dma_wait3A_593] : memref<4x8192x1024xf32, #tpu.memory_space<hbm>> -> memref<1x56x1024xf32, #tpu.memory_space<hbm>>
    %dma_wait3A_595 = tpu.memref_squeeze %dma_wait3A_594 : memref<1x56x1024xf32, #tpu.memory_space<hbm>> -> memref<56x1024xf32, #tpu.memory_space<hbm>>
    %dma_wait3A_596 = arith.constant 0 : i32
    %dma_wait3A_597 = tpu.memref_slice %arg3[%dma_wait3A_589, %add3A_420, %dma_wait3A_596] : memref<4x8192x1024xf32, #tpu.memory_space<hbm>> -> memref<1x56x1024xf32, #tpu.memory_space<hbm>>
    %dma_wait3A_598 = tpu.memref_squeeze %dma_wait3A_597 : memref<1x56x1024xf32, #tpu.memory_space<hbm>> -> memref<56x1024xf32, #tpu.memory_space<hbm>>
    %dma_wait3A_599 = arith.constant 0 : i32
    %dma_wait3A_600 = arith.constant 0 : i32
    %dma_wait3A_601 = tpu.memref_slice %arg5[%dma_wait3A_599, %dma_wait3A_600] : memref<56x1024xf32, #tpu.memory_space<vmem>> -> memref<56x1024xf32, #tpu.memory_space<vmem>>
    tpu.wait_dma2 semaphore(%arg8 : memref<!tpu.dma_semaphore, #tpu.memory_space<semaphore_mem>>) src(%dma_wait3A_601 : memref<56x1024xf32, #tpu.memory_space<vmem>>) dst(%dma_wait3A_598 : memref<56x1024xf32, #tpu.memory_space<hbm>>)
    %dma_wait3A_602 = arith.constant 1 : i32
    %dma_wait3A_603 = arith.constant 0 : i32
    %dma_wait3A_604 = arith.constant 0 : i32
    %dma_wait3A_605 = tpu.memref_slice %arg5[%dma_wait3A_603, %dma_wait3A_604] : memref<56x1024xf32, #tpu.memory_space<vmem>> -> memref<56x1024xf32, #tpu.memory_space<vmem>>
    %dma_wait3A_606 = arith.constant 0 : i32
    %dma_wait3A_607 = tpu.memref_slice %arg3[%dma_wait3A_602, %add3A_420, %dma_wait3A_606] : memref<4x8192x1024xf32, #tpu.memory_space<hbm>> -> memref<1x56x1024xf32, #tpu.memory_space<hbm>>
    %dma_wait3A_608 = tpu.memref_squeeze %dma_wait3A_607 : memref<1x56x1024xf32, #tpu.memory_space<hbm>> -> memref<56x1024xf32, #tpu.memory_space<hbm>>
    %dma_wait3A_609 = arith.constant 0 : i32
    %dma_wait3A_610 = tpu.memref_slice %arg3[%dma_wait3A_602, %add3A_420, %dma_wait3A_609] : memref<4x8192x1024xf32, #tpu.memory_space<hbm>> -> memref<1x56x1024xf32, #tpu.memory_space<hbm>>
    %dma_wait3A_611 = tpu.memref_squeeze %dma_wait3A_610 : memref<1x56x1024xf32, #tpu.memory_space<hbm>> -> memref<56x1024xf32, #tpu.memory_space<hbm>>
    %dma_wait3A_612 = arith.constant 0 : i32
    %dma_wait3A_613 = arith.constant 0 : i32
    %dma_wait3A_614 = tpu.memref_slice %arg5[%dma_wait3A_612, %dma_wait3A_613] : memref<56x1024xf32, #tpu.memory_space<vmem>> -> memref<56x1024xf32, #tpu.memory_space<vmem>>
    tpu.wait_dma2 semaphore(%arg8 : memref<!tpu.dma_semaphore, #tpu.memory_space<semaphore_mem>>) src(%dma_wait3A_614 : memref<56x1024xf32, #tpu.memory_space<vmem>>) dst(%dma_wait3A_611 : memref<56x1024xf32, #tpu.memory_space<hbm>>)
    %dma_wait3A_615 = arith.constant 2 : i32
    %dma_wait3A_616 = arith.constant 0 : i32
    %dma_wait3A_617 = arith.constant 0 : i32
    %dma_wait3A_618 = tpu.memref_slice %arg5[%dma_wait3A_616, %dma_wait3A_617] : memref<56x1024xf32, #tpu.memory_space<vmem>> -> memref<56x1024xf32, #tpu.memory_space<vmem>>
    %dma_wait3A_619 = arith.constant 0 : i32
    %dma_wait3A_620 = tpu.memref_slice %arg3[%dma_wait3A_615, %add3A_420, %dma_wait3A_619] : memref<4x8192x1024xf32, #tpu.memory_space<hbm>> -> memref<1x56x1024xf32, #tpu.memory_space<hbm>>
    %dma_wait3A_621 = tpu.memref_squeeze %dma_wait3A_620 : memref<1x56x1024xf32, #tpu.memory_space<hbm>> -> memref<56x1024xf32, #tpu.memory_space<hbm>>
    %dma_wait3A_622 = arith.constant 0 : i32
    %dma_wait3A_623 = tpu.memref_slice %arg3[%dma_wait3A_615, %add3A_420, %dma_wait3A_622] : memref<4x8192x1024xf32, #tpu.memory_space<hbm>> -> memref<1x56x1024xf32, #tpu.memory_space<hbm>>
    %dma_wait3A_624 = tpu.memref_squeeze %dma_wait3A_623 : memref<1x56x1024xf32, #tpu.memory_space<hbm>> -> memref<56x1024xf32, #tpu.memory_space<hbm>>
    %dma_wait3A_625 = arith.constant 0 : i32
    %dma_wait3A_626 = arith.constant 0 : i32
    %dma_wait3A_627 = tpu.memref_slice %arg5[%dma_wait3A_625, %dma_wait3A_626] : memref<56x1024xf32, #tpu.memory_space<vmem>> -> memref<56x1024xf32, #tpu.memory_space<vmem>>
    tpu.wait_dma2 semaphore(%arg8 : memref<!tpu.dma_semaphore, #tpu.memory_space<semaphore_mem>>) src(%dma_wait3A_627 : memref<56x1024xf32, #tpu.memory_space<vmem>>) dst(%dma_wait3A_624 : memref<56x1024xf32, #tpu.memory_space<hbm>>)
    %dma_wait3A_628 = arith.constant 3 : i32
    %dma_wait3A_629 = arith.constant 0 : i32
    %dma_wait3A_630 = arith.constant 0 : i32
    %dma_wait3A_631 = tpu.memref_slice %arg5[%dma_wait3A_629, %dma_wait3A_630] : memref<56x1024xf32, #tpu.memory_space<vmem>> -> memref<56x1024xf32, #tpu.memory_space<vmem>>
    %dma_wait3A_632 = arith.constant 0 : i32
    %dma_wait3A_633 = tpu.memref_slice %arg3[%dma_wait3A_628, %add3A_420, %dma_wait3A_632] : memref<4x8192x1024xf32, #tpu.memory_space<hbm>> -> memref<1x56x1024xf32, #tpu.memory_space<hbm>>
    %dma_wait3A_634 = tpu.memref_squeeze %dma_wait3A_633 : memref<1x56x1024xf32, #tpu.memory_space<hbm>> -> memref<56x1024xf32, #tpu.memory_space<hbm>>
    %dma_wait3A_635 = arith.constant 0 : i32
    %dma_wait3A_636 = tpu.memref_slice %arg3[%dma_wait3A_628, %add3A_420, %dma_wait3A_635] : memref<4x8192x1024xf32, #tpu.memory_space<hbm>> -> memref<1x56x1024xf32, #tpu.memory_space<hbm>>
    %dma_wait3A_637 = tpu.memref_squeeze %dma_wait3A_636 : memref<1x56x1024xf32, #tpu.memory_space<hbm>> -> memref<56x1024xf32, #tpu.memory_space<hbm>>
    %dma_wait3A_638 = arith.constant 0 : i32
    %dma_wait3A_639 = arith.constant 0 : i32
    %dma_wait3A_640 = tpu.memref_slice %arg5[%dma_wait3A_638, %dma_wait3A_639] : memref<56x1024xf32, #tpu.memory_space<vmem>> -> memref<56x1024xf32, #tpu.memory_space<vmem>>
    tpu.wait_dma2 semaphore(%arg8 : memref<!tpu.dma_semaphore, #tpu.memory_space<semaphore_mem>>) src(%dma_wait3A_640 : memref<56x1024xf32, #tpu.memory_space<vmem>>) dst(%dma_wait3A_637 : memref<56x1024xf32, #tpu.memory_space<hbm>>)
    return
  }
}

</mosaic_0001>

<sc_bundles>
// kernel: kernel.3.cloned.1.call-start
scs
__scs_entry_jumppad:
0x0: {  	(pc) =	sbr.rel $0x88, $3  }
0x1: {  	(tag) =	ssettag $0x0;
	lr =	simm.s32 $0x1  }
0x2: {  	[smem:$0x3FA0] =	sst lr;
	_ =	strace $0xD0000000  }
0x3: {  	_ = 	snop  }
0x4: {  	_ = 	snop  }
0x5: {  	_ = 	snop  }
0x6: {  	_ = 	snop  }
0x7: {  	_ = 	snop  }
__scs_overlays_trampoline_lowered:
0x8: {  	[smem:$0x3FAF] =	sst s0  }
0x9: {  	[smem:$0x3FB0] =	sst s1  }
0xa: {  	[smem:$0x3FB1] =	sst s2  }
0xb: {  	[smem:$0x3FB2] =	sst s3  }
0xc: {  	[smem:$0x3FB3] =	sst s4  }
0xd: {  	[smem:$0x3FB4] =	sst s5  }
0xe: {  	[smem:$0x3FB5] =	sst s6  }
0xf: {  	[smem:$0x3FB6] =	sst s7  }
0x10: {  	[smem:$0x3FB7] =	sst s8  }
0x11: {  	[smem:$0x3FB8] =	sst s9;
	s0 =	simm.s32 @!p0 $0x0  }
0x12: {  	s1 =	sld [smem:$0x3F9E];
	s0 =	simm.s32 @p0 $0x1  }
0x13: {  	[smem:$0x3FB9] =	sst s0;
	s0 =	simm.s32 @!p1 $0x0  }
0x14: {  	s2 =	sld [smem:$0x3F9D];
	s0 =	simm.s32 @p1 $0x1  }
0x15: {  	[smem:$0x3FBA] =	sst s0;
	s0 =	simm.s32 @!p2 $0x0  }
0x16: {  	s3 =	sld [smem:$0x3FDB];
	s0 =	simm.s32 @p2 $0x1  }
0x17: {  	s4 =	simm.s32 $0x1BF5;
	[smem:$0x3FBC] =	sst s0  }
0x18: {  	s0 =	sld [smem:$0x3F9F];
	_ =	swait.ge [sflag:s4], $0x0  }
0x19: {  	s7 =	sld [smem:$0x3FA0]  }
0x1a: {  	s8 =	sadd.s32 $0xFFFFE003, lr  }
0x1b: {  	s9 =	sadd.s32 $0xFFFFFEF7, lr;
	s5 =	simm.s32 $0xFFFFFFFF;
	p2 =	slt.u32 s8, $0xFFFFF086  }
0x1c: {  	p1 =	slt.u32 s9, $0xF7A;
	s5 =	simm.s32 @!p2 $0x0  }
0x1d: {  	s5 =	simm.s32 @p1 $0x1;
	p0 =	seq.s32 s7, s2  }
0x1e: {  	s7 =	smul.u32 @!p0 $0xF7A, s2;
	p2 =	seq.s32 @!p0 s5, $0x0  }
0x1f: {  	s9 =	smul.u32 $0xF7A, s1;
	s8 =	simm.s32 @!p0 $0x1BF5;
	p2 =	por !p2, p0  }
0x20: {  	[sflag:s8] =	ssyncset.s32 @!p0 $0xFFFFF086;
	s6 =	sadd.s32 @!p0 s3, s7;
	s7 =	simm.s32 @!p0 $0x108  }
0x21: {  	s3 =	sadd.s32 s3, s9;
	s6 =	sadd.s32 @!p0 $0x88, s6;
	s7 =	simm.s32 @p2 $0x1082  }
0x22: {  	[simem:s7], [sflag:s8] =	dma.local @!p0 [hbm:s6], $0xF7A  }
0x23: {  	s9 =	sor.u32 $0xD0000000, s2;
	s6 =	simm.s32 $0x108;
	_ =	swait.ge @!p0 [sflag:s8], $0x0  }
0x24: {  	s3 =	sadd.s32 $0x88, s3;
	s6 =	simm.s32 @!p1 $0x1082;
	[sflag:s4] =	ssyncset.s32 $0xFFFFF086  }
0x25: {  	[simem:s6], [sflag:s4] =	dma.local [hbm:s3], $0xF7A  }
0x26: {  	[smem:$0x3FA0] =	sst s1;
	(tag) =	ssettag s2;
	_ =	strace s9  }
0x27: {  	s1 =	sld [smem:$0x3FB0]  }
0x28: {  	s2 =	sld [smem:$0x3FB1]  }
0x29: {  	s4 =	sld [smem:$0x3FB3]  }
0x2a: {  	p0 =	seq.s32 s5, $0x0;
	s5 =	sld [smem:$0x3FB4]  }
0x2b: {  	s6 =	sld [smem:$0x3FB5]  }
0x2c: {  	s7 =	sld [smem:$0x3FB6]  }
0x2d: {  	s3 =	simm.s32 $0x108;
	s8 =	sld [smem:$0x3FB7]  }
0x2e: {  	s3 =	simm.s32 @!p0 $0x1082;
	s9 =	sld [smem:$0x3FB8]  }
0x2f: {  	lr =	sadd.s32 s0, s3;
	s0 =	sld [smem:$0x3FAF]  }
0x30: {  	s3 =	sld [smem:$0x3FB2]  }
0x31: {  	[smem:$0x3FBB] =	sst s10  }
0x32: {  	s10 =	sld [smem:$0x3FB9];
	_ =	sdelay $0x3  }
0x33: {  	p0 =	seq.s32 s10, $0x1;
	s10 =	sld [smem:$0x3FBB];
	_ =	sdelay $0x3  }
0x34: {  	[smem:$0x3FBB] =	sst s10  }
0x35: {  	s10 =	sld [smem:$0x3FBA];
	_ =	sdelay $0x3  }
0x36: {  	p1 =	seq.s32 s10, $0x1;
	s10 =	sld [smem:$0x3FBB];
	_ =	sdelay $0x3  }
0x37: {  	[smem:$0x3FBB] =	sst s10  }
0x38: {  	s10 =	sld [smem:$0x3FBC]  }
0x39: {  	_ = 	snop;
	(pc) =	sbr.ind lr, $3  }
0x3a: {  	_ = 	snop  }
0x3b: {  	_ = 	snop  }
0x3c: {  	p2 =	seq.s32 s10, $0x1;
	s10 =	sld [smem:$0x3FBB]  }
0x3d: {  	_ =	shalt  }
0x3e: {  	_ =	shalt  }
0x3f: {  	_ =	shalt  }
0x40: {  	_ =	shalt  }
0x41: {  	_ =	shalt  }
0x42: {  	_ =	shalt  }
0x43: {  	_ =	shalt  }
0x44: {  	_ =	shalt  }
0x45: {  	_ =	shalt  }
0x46: {  	_ =	shalt  }
0x47: {  	_ =	shalt  }
0x48: {  	_ =	shalt  }
0x49: {  	_ =	shalt  }
0x4a: {  	_ =	shalt  }
0x4b: {  	_ =	shalt  }
0x4c: {  	_ =	shalt  }
0x4d: {  	_ =	shalt  }
0x4e: {  	_ =	shalt  }
0x4f: {  	_ =	shalt  }
0x50: {  	_ =	shalt  }
0x51: {  	_ =	shalt  }
0x52: {  	_ =	shalt  }
0x53: {  	_ =	shalt  }
0x54: {  	_ =	shalt  }
0x55: {  	_ =	shalt  }
0x56: {  	_ =	shalt  }
0x57: {  	_ =	shalt  }
0x58: {  	_ =	shalt  }
0x59: {  	_ =	shalt  }
0x5a: {  	_ =	shalt  }
0x5b: {  	_ =	shalt  }
0x5c: {  	_ =	shalt  }
0x5d: {  	_ =	shalt  }
0x5e: {  	_ =	shalt  }
0x5f: {  	_ =	shalt  }
0x60: {  	_ =	shalt  }
0x61: {  	_ =	shalt  }
0x62: {  	_ =	shalt  }
0x63: {  	_ =	shalt  }
0x64: {  	_ =	shalt  }
0x65: {  	_ =	shalt  }
0x66: {  	_ =	shalt  }
0x67: {  	_ =	shalt  }
0x68: {  	_ =	shalt  }
0x69: {  	_ =	shalt  }
0x6a: {  	_ =	shalt  }
0x6b: {  	_ =	shalt  }
0x6c: {  	_ =	shalt  }
0x6d: {  	_ =	shalt  }
0x6e: {  	_ =	shalt  }
0x6f: {  	_ =	shalt  }
0x70: {  	_ =	shalt  }
0x71: {  	_ =	shalt  }
0x72: {  	_ =	shalt  }
0x73: {  	_ =	shalt  }
0x74: {  	_ =	shalt  }
0x75: {  	_ =	shalt  }
0x76: {  	_ =	shalt  }
0x77: {  	_ =	shalt  }
0x78: {  	_ =	shalt  }
0x79: {  	_ =	shalt  }
0x7a: {  	_ =	shalt  }
0x7b: {  	_ =	shalt  }
0x7c: {  	_ =	shalt  }
0x7d: {  	_ =	shalt  }
0x7e: {  	_ =	shalt  }
0x7f: {  	_ =	shalt  }
0x80: {  	_ =	shalt  }
0x81: {  	_ =	shalt  }
0x82: {  	_ =	shalt  }
0x83: {  	_ =	shalt  }
0x84: {  	_ =	shalt  }
0x85: {  	_ =	shalt  }
0x86: {  	_ =	shalt  }
0x87: {  	_ =	shalt  }
.Lfunc_end0:
.L_simem_size_0:
called_computation_lowered:
.L_overlay_start_0:
0x88: {  	s2 =	sld [smem:$0x3FD9]  }
0x89: {  	s3 =	sld [smem:$0x3FFE];
	_ =	sdelay $0x1  }
0x8a: {  	s1 =	srdreg.scid  }
0x8b: {  	s0 =	sand.u32 $0x1, s1  }
0x8c: {  	s18 =	sshll.u32 s0, $0xA;
	s2 =	sadd.s32 s3, s2  }
0x8d: {  	s2 =	sadd.s32 s2, s18  }
0x8e: {  	[smem:$0x3FC7] =	sst s2  }
0x8f: {  	_ = 	snop  }
0x90: {  	s2 =	sld [smem:$0x3FC9]  }
0x91: {  	s19 =	sld [smem:$0x3FD0];
	(tm) =	ssettm $0x1  }
0x92: {  	s4 =	sld [smem:$0x3FFB];
	_ =	sdelay $0x3  }
0x93: {  	_ =	strace s4  }
0x94: {  	s4 =	sld [smem:$0x3FFC];
	_ =	sdelay $0x3  }
0x95: {  	_ =	strace s4  }
0x96: {  	s4 =	sld [smem:$0x3FFD];
	_ =	sdelay $0x3  }
0x97: {  	_ =	strace s4  }
0x98: {  	_ =	strace $0x8FFFFFFF  }
0x99: {  	s20 =	sld [smem:$0x3FDB];
	_ =	sdelay $0x1  }
0x9a: {  	s5 =	simm.s32 $_scs_section_size  }
0x9b: {  	s6 =	simm.s32 $_size__tile_overlayer_lowered;
	s7 =	simm.s32 $_tile_overlayer_lowered  }
0x9c: {  	s23 =	simm.s32 $0x1BFF;
	s22 =	sshll.u32 s7, $0x1;
	s4 =	sadd.s32 s5, s20  }
0x9d: {  	s8 =	simm.s32 $0x0;
	s21 =	sshll.u32 s6, $0x1;
	s6 =	sadd.s32 s22, s4  }
0x9e: {  	[timem:s8], [sflag:s23] =	dma.local [hbm:s6], s21  }
0x9f: {  	_ =	swait.ge [sflag:s23], s21  }
0xa0: {  	s5 =	ssub.s32 $0x0, s21;
	[sflag:s23] =	ssyncset.done $0x0  }
0xa1: {  	[sflag:s23] =	ssyncadd.s32 s5;
	_ =	sdelay $0x1  }
0xa2: {  	s24 =	simm.s32 $0x1B8B  }
0xa3: {  	_ =	swait.ge [sflag:s24], $0x1  }
0xa4: {  	[sflag:s24] =	ssyncset.done $0x0  }
0xa5: {  	s25 =	simm.s32 $0x1B8E;
	[sflag:s24] =	ssyncadd.s32 $0xFFFFFFFF  }
0xa6: {  	s26 =	simm.s32 $execute0_lowered;
	[smem:$0x3FD2] =	sst s25  }
0xa7: {  	s5 =	sshll.u32 s26, $0x1;
	_ =	strace $0x80000046;
	[dreg:$0x1] =	wrdreg $0xFFFFFFFF  }
0xa8: {  	s28 =	simm.s32 $_size_execute0_lowered;
	s4 =	sadd.s32 s4, s5;
	[dreg:$0x0] =	wrdreg $0x0  }
0xa9: {  	s5 =	sshll.u32 s28, $0x1;
	[dreg:$0x2] =	wrdreg s4  }
0xaa: {  	[dreg:$0x3] =	wrdreg s5  }
0xab: {  	[dreg:$0x4] =	wrdreg $0xC0  }
0xac: {  	_ =	task [dreg:s8], $0x5FFFF  }
0xad: {  	[dreg:$0x1] =	wrdreg $0xFFFFFFFF  }
0xae: {  	[dreg:$0x0] =	wrdreg $0x60  }
0xaf: {  	[dreg:$0x2] =	wrdreg s2  }
0xb0: {  	[dreg:$0x3] =	wrdreg s19  }
0xb1: {  	[dreg:$0x4] =	wrdreg $0x9  }
0xb2: {  	_ =	task.clear_ibuf [dreg:s8], $0x5FFFF;
	_ =	strace $0x90000046  }
0xb3: {  	s29 =	simm.s32 $0x9;
	_ =	strace $0x80000048  }
0xb4: {  	_ =	swait.ge [sflag:s29], $0x1  }
0xb5: {  	[sflag:s29] =	ssyncadd.s32 $0xFFFFFFFF  }
0xb6: {  	_ =	strace $0x90000048  }
0xb7: {  	_ =	sfence  }
0xb8: {  	s30 =	sld [smem:$0x0];
	_ =	sdelay $0x2  }
0xb9: {  	s31 =	sshll.u32 s1, $0xD;
	s1 =	sshrl.u32 s1, $0x2  }
0xba: {  	s3 =	sand.u32 $0x4000, s31;
	s1 =	sadd.s32 s1, s30  }
0xbb: {  	s0 =	sor.u32 s3, s0;
	s1 =	sshll.u32 s1, $0x11  }
0xbc: {  	s0 =	sor.u32 s1, s0  }
0xbd: {  	s0 =	sadd.s32 $0x8F2B, s0  }
0xbe: {  	[sflag:s0] =	ssyncadd.remote.s32 $0x1  }
0xbf: {  	_ =	sfence.sel $0xFFFF  }
0xc0: {  	[dreg:$0x0] =	wrdreg $0xFFFFFFFF;
	(pc) =	sbr.abs _section_cstart, $3  }
0xc1: {  	[dreg:$0x1] =	wrdreg $0xFFFFFFFF  }
0xc2: {  	_ =	task.clear_ibuf [dreg:s8], $0x2FFFF;
	_ =	strace $0x9FFFFFFF  }
0xc3: {  	(tm) =	ssettm $0x7FFFFFFF  }
tec
execute0_lowered:
.L_overlay_start_1:
0x0: {  	(tag) =	ssettag $0x1  }
0x1: {  	s0 =	rddreg [dreg:$0x0]  }
0x2: {  	s1 =	rddreg [dreg:$0x1];
	s3 =	srdreg.scid  }
0x3: {  	s2 =	simm.s32 $0x0;
	s6 =	stileid.u32;
	s3 =	sand.u32 $0x1, s3  }
0x4: {  	p0 =	por $0x0, $0x0;
	[smem:$0x7FF] =	sst s2;
	s4 =	ssub.s32 $0x2, s3  }
0x5: {  	s6 =	sshll.u32 s6, $0x10;
	s3 =	sshll.u32 s3, $0xF;
	s5 =	sshrl.u32 s4, $0x1  }
0x6: {  	_ =	strace $0x80000047;
	s3 =	sor.u32 s3, s6;
	s4 =	ssub.s32 s4, s5  }
0x7: {  	s12 =	sadd.s32 s0, s3;
	s6 =	sor.u32 $0x2000, s3;
	s26 =	sadd.s32 s1, s3  }
0x8: {  	s13 =	sor.u32 $0x3C00, s3;
	s14 =	sor.u32 $0x5C00, s3;
	s3 =	sor.u32 $0x7800, s3  }
0x9: {  	[dreg:$0x3] =	wrdreg s12;
	s31 =	sadd.s32 s0, s6;
	s28 =	sadd.s32 $0x100000, s26  }
0xa: {  	s29 =	sadd.s32 $0x200000, s26;
	s30 =	sadd.s32 $0x300000, s26;
	s21 =	sadd.s32 s0, s13  }
0xb: {  	s22 =	sadd.s32 s1, s6;
	s23 =	sadd.s32 $0x102000, s26;
	s24 =	sadd.s32 $0x202000, s26  }
0xc: {  	s25 =	sadd.s32 $0x302000, s26;
	s18 =	sadd.s32 s0, s14;
	s16 =	sadd.s32 $0x103C00, s26  }
0xd: {  	s17 =	sadd.s32 $0x203C00, s26;
	s20 =	sadd.s32 s1, s13;
	s15 =	smax.u32 s4, $0x1  }
0xe: {  	s19 =	sadd.s32 $0x303C00, s26;
	s9 =	sadd.s32 $0x105C00, s26;
	p1 =	sne.s32 s15, $0x1  }
.Ltmp0:
0xf: {  	s7 =	sadd.s32 s0, s3;
	s10 =	sadd.s32 $0x205C00, s26;
	(pc) =	sbr.rel @!p1 .LBB2_3-.Ltmp0, $4  }
0x10: {  	s8 =	sadd.s32 s1, s14;
	s11 =	sadd.s32 $0x305C00, s26;
	s6 =	sadd.s32 $0x107800, s26  }
0x11: {  	s5 =	sadd.s32 s1, s3;
	s12 =	sadd.s32 $0x207800, s26;
	s13 =	sadd.s32 $0x307800, s26  }
0x12: {  	s14 =	simm.s32 $0x1;
	s4 =	simm.s32 $0x2;
	s3 =	simm.s32 $0x3  }
0x13: {  	s0 =	sadd.s32 $0xFFFFFFFF, s15;
	s15 =	simm.s32 $0x10000;
	s1 =	rddreg [dreg:$0x3]  }
0x14: {  	[tilespmem:s2], [sflag:$0x1] =	stream.linear.gather [hbm4b:s1+s2], $0x10000, $0x38;
	[tilespmem:$0x1E000] =	vst v63  }
0x15: {  	_ =	swait.ge [sflag:s14], $0x10000  }
0x16: {  	[sflag:s14] =	ssyncset.done $0x0  }
0x17: {  	[sflag:s14] =	ssyncadd.s32 $0xFFFF0000  }
0x18: {  	[tilespmem:s15], [sflag:$0x1] =	stream.linear.gather [hbm4b:s31+s2], $0xE000, $0x38;
	[tilespmem:$0x1E000] =	vst v63  }
0x19: {  	_ = 	snop  }
0x1a: {  	[hbm4b:s26+s2] =	stream.linear.scatter [tilespmem:s2], [sflag:$0x2], $0x10000, $0x38;
	[tilespmem:$0x1E000] =	vst v63  }
0x1b: {  	_ = 	snop  }
0x1c: {  	[hbm4b:s28+s2] =	stream.linear.scatter [tilespmem:s2], [sflag:$0x2], $0x10000, $0x38;
	[tilespmem:$0x1E000] =	vst v63  }
0x1d: {  	_ = 	snop  }
0x1e: {  	[hbm4b:s29+s2] =	stream.linear.scatter [tilespmem:s2], [sflag:$0x2], $0x10000, $0x38;
	[tilespmem:$0x1E000] =	vst v63  }
0x1f: {  	_ = 	snop  }
0x20: {  	[hbm4b:s30+s2] =	stream.linear.scatter [tilespmem:s2], [sflag:$0x2], $0x10000, $0x38;
	[tilespmem:$0x1E000] =	vst v63  }
0x21: {  	_ =	swait.ge [sflag:s14], $0xE000  }
0x22: {  	[sflag:s14] =	ssyncset.done $0x0  }
0x23: {  	[sflag:s14] =	ssyncadd.s32 $0xFFFF2000  }
0x24: {  	_ =	swait.ge [sflag:s4], $0x10000  }
0x25: {  	[sflag:s4] =	ssyncset.done $0x0  }
0x26: {  	[sflag:s4] =	ssyncadd.s32 $0xFFFF0000  }
0x27: {  	_ =	swait.ge [sflag:s4], $0x10000  }
0x28: {  	[sflag:s4] =	ssyncset.done $0x0  }
0x29: {  	[sflag:s4] =	ssyncadd.s32 $0xFFFF0000  }
0x2a: {  	_ =	swait.ge [sflag:s4], $0x10000  }
0x2b: {  	[sflag:s4] =	ssyncset.done $0x0  }
0x2c: {  	[sflag:s4] =	ssyncadd.s32 $0xFFFF0000  }
0x2d: {  	_ =	swait.ge [sflag:s4], $0x10000  }
0x2e: {  	[sflag:s4] =	ssyncset.done $0x0  }
0x2f: {  	[sflag:s4] =	ssyncadd.s32 $0xFFFF0000  }
0x30: {  	[tilespmem:s2], [sflag:$0x1] =	stream.linear.gather [hbm4b:s21+s2], $0x10000, $0x38;
	[tilespmem:$0x1E000] =	vst v63  }
0x31: {  	_ = 	snop  }
0x32: {  	[hbm4b:s22+s2] =	stream.linear.scatter [tilespmem:s15], [sflag:$0x3], $0xE000, $0x38;
	[tilespmem:$0x1E000] =	vst v63  }
0x33: {  	_ = 	snop  }
0x34: {  	[hbm4b:s23+s2] =	stream.linear.scatter [tilespmem:s15], [sflag:$0x3], $0xE000, $0x38;
	[tilespmem:$0x1E000] =	vst v63  }
0x35: {  	_ = 	snop  }
0x36: {  	[hbm4b:s24+s2] =	stream.linear.scatter [tilespmem:s15], [sflag:$0x3], $0xE000, $0x38;
	[tilespmem:$0x1E000] =	vst v63  }
0x37: {  	_ = 	snop  }
0x38: {  	[hbm4b:s25+s2] =	stream.linear.scatter [tilespmem:s15], [sflag:$0x3], $0xE000, $0x38;
	[tilespmem:$0x1E000] =	vst v63  }
0x39: {  	_ =	swait.ge [sflag:s14], $0x10000  }
0x3a: {  	[sflag:s14] =	ssyncset.done $0x0  }
0x3b: {  	[sflag:s14] =	ssyncadd.s32 $0xFFFF0000  }
0x3c: {  	_ =	swait.ge [sflag:s3], $0xE000  }
0x3d: {  	[sflag:s3] =	ssyncset.done $0x0  }
0x3e: {  	[sflag:s3] =	ssyncadd.s32 $0xFFFF2000  }
0x3f: {  	_ =	swait.ge [sflag:s3], $0xE000  }
0x40: {  	[sflag:s3] =	ssyncset.done $0x0  }
0x41: {  	[sflag:s3] =	ssyncadd.s32 $0xFFFF2000  }
0x42: {  	_ =	swait.ge [sflag:s3], $0xE000  }
0x43: {  	[sflag:s3] =	ssyncset.done $0x0  }
0x44: {  	[sflag:s3] =	ssyncadd.s32 $0xFFFF2000  }
0x45: {  	_ =	swait.ge [sflag:s3], $0xE000  }
0x46: {  	[sflag:s3] =	ssyncset.done $0x0  }
0x47: {  	[sflag:s3] =	ssyncadd.s32 $0xFFFF2000  }
0x48: {  	[tilespmem:s15], [sflag:$0x1] =	stream.linear.gather [hbm4b:s18+s2], $0xE000, $0x38;
	[tilespmem:$0x1E000] =	vst v63  }
0x49: {  	_ = 	snop  }
0x4a: {  	[hbm4b:s20+s2] =	stream.linear.scatter [tilespmem:s2], [sflag:$0x2], $0x10000, $0x38;
	[tilespmem:$0x1E000] =	vst v63  }
0x4b: {  	_ = 	snop  }
0x4c: {  	[hbm4b:s16+s2] =	stream.linear.scatter [tilespmem:s2], [sflag:$0x2], $0x10000, $0x38;
	[tilespmem:$0x1E000] =	vst v63  }
0x4d: {  	_ = 	snop  }
0x4e: {  	[hbm4b:s17+s2] =	stream.linear.scatter [tilespmem:s2], [sflag:$0x2], $0x10000, $0x38;
	[tilespmem:$0x1E000] =	vst v63  }
0x4f: {  	_ = 	snop  }
0x50: {  	[hbm4b:s19+s2] =	stream.linear.scatter [tilespmem:s2], [sflag:$0x2], $0x10000, $0x38;
	[tilespmem:$0x1E000] =	vst v63  }
0x51: {  	_ =	swait.ge [sflag:s14], $0xE000  }
0x52: {  	[sflag:s14] =	ssyncset.done $0x0  }
0x53: {  	[sflag:s14] =	ssyncadd.s32 $0xFFFF2000  }
0x54: {  	_ =	swait.ge [sflag:s4], $0x10000  }
0x55: {  	[sflag:s4] =	ssyncset.done $0x0  }
0x56: {  	[sflag:s4] =	ssyncadd.s32 $0xFFFF0000  }
0x57: {  	_ =	swait.ge [sflag:s4], $0x10000  }
0x58: {  	[sflag:s4] =	ssyncset.done $0x0  }
0x59: {  	[sflag:s4] =	ssyncadd.s32 $0xFFFF0000  }
0x5a: {  	_ =	swait.ge [sflag:s4], $0x10000  }
0x5b: {  	[sflag:s4] =	ssyncset.done $0x0  }
0x5c: {  	[sflag:s4] =	ssyncadd.s32 $0xFFFF0000  }
0x5d: {  	_ =	swait.ge [sflag:s4], $0x10000  }
0x5e: {  	[sflag:s4] =	ssyncset.done $0x0  }
0x5f: {  	[sflag:s4] =	ssyncadd.s32 $0xFFFF0000  }
0x60: {  	[tilespmem:s2], [sflag:$0x1] =	stream.linear.gather [hbm4b:s7+s2], $0x4000, $0x38;
	[tilespmem:$0x1E000] =	vst v63  }
0x61: {  	_ = 	snop  }
0x62: {  	[hbm4b:s8+s2] =	stream.linear.scatter [tilespmem:s15], [sflag:$0x3], $0xE000, $0x38;
	[tilespmem:$0x1E000] =	vst v63  }
0x63: {  	_ = 	snop  }
0x64: {  	[hbm4b:s9+s2] =	stream.linear.scatter [tilespmem:s15], [sflag:$0x3], $0xE000, $0x38;
	[tilespmem:$0x1E000] =	vst v63  }
0x65: {  	_ = 	snop  }
0x66: {  	[hbm4b:s10+s2] =	stream.linear.scatter [tilespmem:s15], [sflag:$0x3], $0xE000, $0x38;
	[tilespmem:$0x1E000] =	vst v63  }
0x67: {  	_ = 	snop  }
0x68: {  	[hbm4b:s11+s2] =	stream.linear.scatter [tilespmem:s15], [sflag:$0x3], $0xE000, $0x38;
	[tilespmem:$0x1E000] =	vst v63  }
0x69: {  	_ =	swait.ge [sflag:s14], $0x4000  }
0x6a: {  	[sflag:s14] =	ssyncset.done $0x0  }
0x6b: {  	[sflag:s14] =	ssyncadd.s32 $0xFFFFC000  }
0x6c: {  	[hbm4b:s5+s2] =	stream.linear.scatter [tilespmem:s2], [sflag:$0x2], $0x4000, $0x38;
	[tilespmem:$0x1E000] =	vst v63  }
0x6d: {  	_ = 	snop  }
0x6e: {  	[hbm4b:s6+s2] =	stream.linear.scatter [tilespmem:s2], [sflag:$0x2], $0x4000, $0x38;
	[tilespmem:$0x1E000] =	vst v63  }
0x6f: {  	_ = 	snop  }
0x70: {  	[hbm4b:s12+s2] =	stream.linear.scatter [tilespmem:s2], [sflag:$0x2], $0x4000, $0x38;
	[tilespmem:$0x1E000] =	vst v63  }
0x71: {  	_ = 	snop  }
0x72: {  	[hbm4b:s13+s2] =	stream.linear.scatter [tilespmem:s2], [sflag:$0x2], $0x4000, $0x38;
	[tilespmem:$0x1E000] =	vst v63  }
0x73: {  	_ =	swait.ge [sflag:s4], $0x4000  }
0x74: {  	[sflag:s4] =	ssyncset.done $0x0  }
0x75: {  	[sflag:s4] =	ssyncadd.s32 $0xFFFFC000  }
0x76: {  	_ =	swait.ge [sflag:s4], $0x4000  }
0x77: {  	[sflag:s4] =	ssyncset.done $0x0  }
0x78: {  	[sflag:s4] =	ssyncadd.s32 $0xFFFFC000  }
0x79: {  	_ =	swait.ge [sflag:s4], $0x4000  }
0x7a: {  	[sflag:s4] =	ssyncset.done $0x0  }
0x7b: {  	[sflag:s4] =	ssyncadd.s32 $0xFFFFC000  }
0x7c: {  	_ =	swait.ge [sflag:s4], $0x4000  }
0x7d: {  	[sflag:s4] =	ssyncset.done $0x0  }
0x7e: {  	[sflag:s4] =	ssyncadd.s32 $0xFFFFC000  }
0x7f: {  	_ =	swait.ge [sflag:s3], $0xE000  }
0x80: {  	[sflag:s3] =	ssyncset.done $0x0  }
0x81: {  	[sflag:s3] =	ssyncadd.s32 $0xFFFF2000  }
0x82: {  	_ =	swait.ge [sflag:s3], $0xE000  }
0x83: {  	[sflag:s3] =	ssyncset.done $0x0  }
0x84: {  	p1 =	sne.s32 s0, $0x1;
	[sflag:s3] =	ssyncadd.s32 $0xFFFF2000  }
.Ltmp1:
0x85: {  	_ =	swait.ge [sflag:s3], $0xE000;
	(pc) =	sbr.rel @!p1 .LBB2_3-.Ltmp1, $4  }
0x86: {  	[sflag:s3] =	ssyncset.done $0x0  }
0x87: {  	[sflag:s3] =	ssyncadd.s32 $0xFFFF2000  }
0x88: {  	s0 =	sadd.s32 $0xFFFFFFFF, s0;
	_ =	swait.ge [sflag:s3], $0xE000  }
0x89: {  	p0 =	por $0x1, $0x1;
	s1 =	rddreg [dreg:$0x3];
	[sflag:s3] =	ssyncset.done $0x0  }
.LBB2_2:
0x8a: {  	[sflag:s3] =	ssyncadd.s32 $0xFFFF2000  }
0x8b: {  	[tilespmem:s2], [sflag:$0x1] =	stream.linear.gather [hbm4b:s1+s2], $0x10000, $0x38;
	[tilespmem:$0x1E000] =	vst v63  }
0x8c: {  	_ =	swait.ge [sflag:s14], $0x10000  }
0x8d: {  	[sflag:s14] =	ssyncset.done $0x0  }
0x8e: {  	[sflag:s14] =	ssyncadd.s32 $0xFFFF0000  }
0x8f: {  	[tilespmem:s15], [sflag:$0x1] =	stream.linear.gather [hbm4b:s31+s2], $0xE000, $0x38;
	[tilespmem:$0x1E000] =	vst v63  }
0x90: {  	_ = 	snop  }
0x91: {  	[hbm4b:s26+s2] =	stream.linear.scatter [tilespmem:s2], [sflag:$0x2], $0x10000, $0x38;
	[tilespmem:$0x1E000] =	vst v63  }
0x92: {  	_ = 	snop  }
0x93: {  	[hbm4b:s28+s2] =	stream.linear.scatter [tilespmem:s2], [sflag:$0x2], $0x10000, $0x38;
	[tilespmem:$0x1E000] =	vst v63  }
0x94: {  	_ = 	snop  }
0x95: {  	[hbm4b:s29+s2] =	stream.linear.scatter [tilespmem:s2], [sflag:$0x2], $0x10000, $0x38;
	[tilespmem:$0x1E000] =	vst v63  }
0x96: {  	_ = 	snop  }
0x97: {  	[hbm4b:s30+s2] =	stream.linear.scatter [tilespmem:s2], [sflag:$0x2], $0x10000, $0x38;
	[tilespmem:$0x1E000] =	vst v63  }
0x98: {  	_ =	swait.ge [sflag:s14], $0xE000  }
0x99: {  	[sflag:s14] =	ssyncset.done $0x0  }
0x9a: {  	[sflag:s14] =	ssyncadd.s32 $0xFFFF2000  }
0x9b: {  	_ =	swait.ge [sflag:s4], $0x10000  }
0x9c: {  	[sflag:s4] =	ssyncset.done $0x0  }
0x9d: {  	[sflag:s4] =	ssyncadd.s32 $0xFFFF0000  }
0x9e: {  	_ =	swait.ge [sflag:s4], $0x10000  }
0x9f: {  	[sflag:s4] =	ssyncset.done $0x0  }
0xa0: {  	[sflag:s4] =	ssyncadd.s32 $0xFFFF0000  }
0xa1: {  	_ =	swait.ge [sflag:s4], $0x10000  }
0xa2: {  	[sflag:s4] =	ssyncset.done $0x0  }
0xa3: {  	[sflag:s4] =	ssyncadd.s32 $0xFFFF0000  }
0xa4: {  	_ =	swait.ge [sflag:s4], $0x10000  }
0xa5: {  	[sflag:s4] =	ssyncset.done $0x0  }
0xa6: {  	[sflag:s4] =	ssyncadd.s32 $0xFFFF0000  }
0xa7: {  	[tilespmem:s2], [sflag:$0x1] =	stream.linear.gather [hbm4b:s21+s2], $0x10000, $0x38;
	[tilespmem:$0x1E000] =	vst v63  }
0xa8: {  	_ = 	snop  }
0xa9: {  	[hbm4b:s22+s2] =	stream.linear.scatter [tilespmem:s15], [sflag:$0x3], $0xE000, $0x38;
	[tilespmem:$0x1E000] =	vst v63  }
0xaa: {  	_ = 	snop  }
0xab: {  	[hbm4b:s23+s2] =	stream.linear.scatter [tilespmem:s15], [sflag:$0x3], $0xE000, $0x38;
	[tilespmem:$0x1E000] =	vst v63  }
0xac: {  	_ = 	snop  }
0xad: {  	[hbm4b:s24+s2] =	stream.linear.scatter [tilespmem:s15], [sflag:$0x3], $0xE000, $0x38;
	[tilespmem:$0x1E000] =	vst v63  }
0xae: {  	_ = 	snop  }
0xaf: {  	[hbm4b:s25+s2] =	stream.linear.scatter [tilespmem:s15], [sflag:$0x3], $0xE000, $0x38;
	[tilespmem:$0x1E000] =	vst v63  }
0xb0: {  	_ =	swait.ge [sflag:s14], $0x10000  }
0xb1: {  	[sflag:s14] =	ssyncset.done $0x0  }
0xb2: {  	[sflag:s14] =	ssyncadd.s32 $0xFFFF0000  }
0xb3: {  	_ =	swait.ge [sflag:s3], $0xE000  }
0xb4: {  	[sflag:s3] =	ssyncset.done $0x0  }
0xb5: {  	[sflag:s3] =	ssyncadd.s32 $0xFFFF2000  }
0xb6: {  	_ =	swait.ge [sflag:s3], $0xE000  }
0xb7: {  	[sflag:s3] =	ssyncset.done $0x0  }
0xb8: {  	[sflag:s3] =	ssyncadd.s32 $0xFFFF2000  }
0xb9: {  	_ =	swait.ge [sflag:s3], $0xE000  }
0xba: {  	[sflag:s3] =	ssyncset.done $0x0  }
0xbb: {  	[sflag:s3] =	ssyncadd.s32 $0xFFFF2000  }
0xbc: {  	_ =	swait.ge [sflag:s3], $0xE000  }
0xbd: {  	[sflag:s3] =	ssyncset.done $0x0  }
0xbe: {  	[sflag:s3] =	ssyncadd.s32 $0xFFFF2000  }
0xbf: {  	[tilespmem:s15], [sflag:$0x1] =	stream.linear.gather [hbm4b:s18+s2], $0xE000, $0x38;
	[tilespmem:$0x1E000] =	vst v63  }
0xc0: {  	_ = 	snop  }
0xc1: {  	[hbm4b:s20+s2] =	stream.linear.scatter [tilespmem:s2], [sflag:$0x2], $0x10000, $0x38;
	[tilespmem:$0x1E000] =	vst v63  }
0xc2: {  	_ = 	snop  }
0xc3: {  	[hbm4b:s16+s2] =	stream.linear.scatter [tilespmem:s2], [sflag:$0x2], $0x10000, $0x38;
	[tilespmem:$0x1E000] =	vst v63  }
0xc4: {  	_ = 	snop  }
0xc5: {  	[hbm4b:s17+s2] =	stream.linear.scatter [tilespmem:s2], [sflag:$0x2], $0x10000, $0x38;
	[tilespmem:$0x1E000] =	vst v63  }
0xc6: {  	_ = 	snop  }
0xc7: {  	[hbm4b:s19+s2] =	stream.linear.scatter [tilespmem:s2], [sflag:$0x2], $0x10000, $0x38;
	[tilespmem:$0x1E000] =	vst v63  }
0xc8: {  	_ =	swait.ge [sflag:s14], $0xE000  }
0xc9: {  	[sflag:s14] =	ssyncset.done $0x0  }
0xca: {  	[sflag:s14] =	ssyncadd.s32 $0xFFFF2000  }
0xcb: {  	_ =	swait.ge [sflag:s4], $0x10000  }
0xcc: {  	[sflag:s4] =	ssyncset.done $0x0  }
0xcd: {  	[sflag:s4] =	ssyncadd.s32 $0xFFFF0000  }
0xce: {  	_ =	swait.ge [sflag:s4], $0x10000  }
0xcf: {  	[sflag:s4] =	ssyncset.done $0x0  }
0xd0: {  	[sflag:s4] =	ssyncadd.s32 $0xFFFF0000  }
0xd1: {  	_ =	swait.ge [sflag:s4], $0x10000  }
0xd2: {  	[sflag:s4] =	ssyncset.done $0x0  }
0xd3: {  	[sflag:s4] =	ssyncadd.s32 $0xFFFF0000  }
0xd4: {  	_ =	swait.ge [sflag:s4], $0x10000  }
0xd5: {  	[sflag:s4] =	ssyncset.done $0x0  }
0xd6: {  	[sflag:s4] =	ssyncadd.s32 $0xFFFF0000  }
0xd7: {  	[tilespmem:s2], [sflag:$0x1] =	stream.linear.gather [hbm4b:s7+s2], $0x4000, $0x38;
	[tilespmem:$0x1E000] =	vst v63  }
0xd8: {  	_ = 	snop  }
0xd9: {  	[hbm4b:s8+s2] =	stream.linear.scatter [tilespmem:s15], [sflag:$0x3], $0xE000, $0x38;
	[tilespmem:$0x1E000] =	vst v63  }
0xda: {  	_ = 	snop  }
0xdb: {  	[hbm4b:s9+s2] =	stream.linear.scatter [tilespmem:s15], [sflag:$0x3], $0xE000, $0x38;
	[tilespmem:$0x1E000] =	vst v63  }
0xdc: {  	_ = 	snop  }
0xdd: {  	[hbm4b:s10+s2] =	stream.linear.scatter [tilespmem:s15], [sflag:$0x3], $0xE000, $0x38;
	[tilespmem:$0x1E000] =	vst v63  }
0xde: {  	_ = 	snop  }
0xdf: {  	[hbm4b:s11+s2] =	stream.linear.scatter [tilespmem:s15], [sflag:$0x3], $0xE000, $0x38;
	[tilespmem:$0x1E000] =	vst v63  }
0xe0: {  	_ =	swait.ge [sflag:s14], $0x4000  }
0xe1: {  	[sflag:s14] =	ssyncset.done $0x0  }
0xe2: {  	[sflag:s14] =	ssyncadd.s32 $0xFFFFC000  }
0xe3: {  	[hbm4b:s5+s2] =	stream.linear.scatter [tilespmem:s2], [sflag:$0x2], $0x4000, $0x38;
	[tilespmem:$0x1E000] =	vst v63  }
0xe4: {  	_ = 	snop  }
0xe5: {  	[hbm4b:s6+s2] =	stream.linear.scatter [tilespmem:s2], [sflag:$0x2], $0x4000, $0x38;
	[tilespmem:$0x1E000] =	vst v63  }
0xe6: {  	_ = 	snop  }
0xe7: {  	[hbm4b:s12+s2] =	stream.linear.scatter [tilespmem:s2], [sflag:$0x2], $0x4000, $0x38;
	[tilespmem:$0x1E000] =	vst v63  }
0xe8: {  	_ = 	snop  }
0xe9: {  	[hbm4b:s13+s2] =	stream.linear.scatter [tilespmem:s2], [sflag:$0x2], $0x4000, $0x38;
	[tilespmem:$0x1E000] =	vst v63  }
0xea: {  	_ =	swait.ge [sflag:s4], $0x4000  }
0xeb: {  	[sflag:s4] =	ssyncset.done $0x0  }
0xec: {  	[sflag:s4] =	ssyncadd.s32 $0xFFFFC000  }
0xed: {  	_ =	swait.ge [sflag:s4], $0x4000  }
0xee: {  	[sflag:s4] =	ssyncset.done $0x0  }
0xef: {  	[sflag:s4] =	ssyncadd.s32 $0xFFFFC000  }
0xf0: {  	_ =	swait.ge [sflag:s4], $0x4000  }
0xf1: {  	[sflag:s4] =	ssyncset.done $0x0  }
0xf2: {  	[sflag:s4] =	ssyncadd.s32 $0xFFFFC000  }
0xf3: {  	_ =	swait.ge [sflag:s4], $0x4000  }
0xf4: {  	[sflag:s4] =	ssyncset.done $0x0  }
0xf5: {  	[sflag:s4] =	ssyncadd.s32 $0xFFFFC000  }
0xf6: {  	_ =	swait.ge [sflag:s3], $0xE000  }
0xf7: {  	[sflag:s3] =	ssyncset.done $0x0  }
0xf8: {  	[sflag:s3] =	ssyncadd.s32 $0xFFFF2000  }
0xf9: {  	_ =	swait.ge [sflag:s3], $0xE000  }
0xfa: {  	[sflag:s3] =	ssyncset.done $0x0  }
0xfb: {  	p1 =	sne.s32 s0, $0x1;
	[sflag:s3] =	ssyncadd.s32 $0xFFFF2000  }
.Ltmp2:
0xfc: {  	_ =	swait.ge [sflag:s3], $0xE000;
	(pc) =	sbr.rel @p1 .LBB2_2-.Ltmp2, $4  }
0xfd: {  	[sflag:s3] =	ssyncset.done $0x0  }
0xfe: {  	[sflag:s3] =	ssyncadd.s32 $0xFFFF2000  }
0xff: {  	_ =	swait.ge [sflag:s3], $0xE000  }
0x100: {  	s0 =	sadd.s32 $0xFFFFFFFF, s0;
	s1 =	rddreg [dreg:$0x3];
	[sflag:s3] =	ssyncset.done $0x0  }
.LBB2_3:
0x101: {  	[sflag:s3] =	ssyncadd.s32 @p0 $0xFFFF2000  }
0x102: {  	[tilespmem:s2], [sflag:$0x1] =	stream.linear.gather [hbm4b:s1+s2], $0x10000, $0x38;
	[tilespmem:$0x1E000] =	vst v63  }
0x103: {  	_ =	swait.ge [sflag:s14], $0x10000  }
0x104: {  	[sflag:s14] =	ssyncset.done $0x0  }
0x105: {  	[sflag:s14] =	ssyncadd.s32 $0xFFFF0000  }
0x106: {  	[tilespmem:s15], [sflag:$0x1] =	stream.linear.gather [hbm4b:s31+s2], $0xE000, $0x38;
	[tilespmem:$0x1E000] =	vst v63  }
0x107: {  	_ = 	snop  }
0x108: {  	[hbm4b:s26+s2] =	stream.linear.scatter [tilespmem:s2], [sflag:$0x2], $0x10000, $0x38;
	[tilespmem:$0x1E000] =	vst v63  }
0x109: {  	_ = 	snop  }
0x10a: {  	[hbm4b:s28+s2] =	stream.linear.scatter [tilespmem:s2], [sflag:$0x2], $0x10000, $0x38;
	[tilespmem:$0x1E000] =	vst v63  }
0x10b: {  	_ = 	snop  }
0x10c: {  	[hbm4b:s29+s2] =	stream.linear.scatter [tilespmem:s2], [sflag:$0x2], $0x10000, $0x38;
	[tilespmem:$0x1E000] =	vst v63  }
0x10d: {  	_ = 	snop  }
0x10e: {  	[hbm4b:s30+s2] =	stream.linear.scatter [tilespmem:s2], [sflag:$0x2], $0x10000, $0x38;
	[tilespmem:$0x1E000] =	vst v63  }
0x10f: {  	_ =	swait.ge [sflag:s14], $0xE000  }
0x110: {  	[sflag:s14] =	ssyncset.done $0x0  }
0x111: {  	[sflag:s14] =	ssyncadd.s32 $0xFFFF2000  }
0x112: {  	_ =	swait.ge [sflag:s4], $0x10000  }
0x113: {  	[sflag:s4] =	ssyncset.done $0x0  }
0x114: {  	[sflag:s4] =	ssyncadd.s32 $0xFFFF0000  }
0x115: {  	_ =	swait.ge [sflag:s4], $0x10000  }
0x116: {  	[sflag:s4] =	ssyncset.done $0x0  }
0x117: {  	[sflag:s4] =	ssyncadd.s32 $0xFFFF0000  }
0x118: {  	_ =	swait.ge [sflag:s4], $0x10000  }
0x119: {  	[sflag:s4] =	ssyncset.done $0x0  }
0x11a: {  	[sflag:s4] =	ssyncadd.s32 $0xFFFF0000  }
0x11b: {  	_ =	swait.ge [sflag:s4], $0x10000  }
0x11c: {  	[sflag:s4] =	ssyncset.done $0x0  }
0x11d: {  	[sflag:s4] =	ssyncadd.s32 $0xFFFF0000  }
0x11e: {  	[tilespmem:s2], [sflag:$0x1] =	stream.linear.gather [hbm4b:s21+s2], $0x10000, $0x38;
	[tilespmem:$0x1E000] =	vst v63  }
0x11f: {  	_ = 	snop  }
0x120: {  	[hbm4b:s22+s2] =	stream.linear.scatter [tilespmem:s15], [sflag:$0x3], $0xE000, $0x38;
	[tilespmem:$0x1E000] =	vst v63  }
0x121: {  	_ = 	snop  }
0x122: {  	[hbm4b:s23+s2] =	stream.linear.scatter [tilespmem:s15], [sflag:$0x3], $0xE000, $0x38;
	[tilespmem:$0x1E000] =	vst v63  }
0x123: {  	_ = 	snop  }
0x124: {  	[hbm4b:s24+s2] =	stream.linear.scatter [tilespmem:s15], [sflag:$0x3], $0xE000, $0x38;
	[tilespmem:$0x1E000] =	vst v63  }
0x125: {  	_ = 	snop  }
0x126: {  	[hbm4b:s25+s2] =	stream.linear.scatter [tilespmem:s15], [sflag:$0x3], $0xE000, $0x38;
	[tilespmem:$0x1E000] =	vst v63  }
0x127: {  	_ =	swait.ge [sflag:s14], $0x10000  }
0x128: {  	[sflag:s14] =	ssyncset.done $0x0  }
0x129: {  	[sflag:s14] =	ssyncadd.s32 $0xFFFF0000  }
0x12a: {  	_ =	swait.ge [sflag:s3], $0xE000  }
0x12b: {  	[sflag:s3] =	ssyncset.done $0x0  }
0x12c: {  	[sflag:s3] =	ssyncadd.s32 $0xFFFF2000  }
0x12d: {  	_ =	swait.ge [sflag:s3], $0xE000  }
0x12e: {  	[sflag:s3] =	ssyncset.done $0x0  }
0x12f: {  	[sflag:s3] =	ssyncadd.s32 $0xFFFF2000  }
0x130: {  	_ =	swait.ge [sflag:s3], $0xE000  }
0x131: {  	[sflag:s3] =	ssyncset.done $0x0  }
0x132: {  	[sflag:s3] =	ssyncadd.s32 $0xFFFF2000  }
0x133: {  	_ =	swait.ge [sflag:s3], $0xE000  }
0x134: {  	[sflag:s3] =	ssyncset.done $0x0  }
0x135: {  	[sflag:s3] =	ssyncadd.s32 $0xFFFF2000  }
0x136: {  	[tilespmem:s15], [sflag:$0x1] =	stream.linear.gather [hbm4b:s18+s2], $0xE000, $0x38;
	[tilespmem:$0x1E000] =	vst v63  }
0x137: {  	_ = 	snop  }
0x138: {  	[hbm4b:s20+s2] =	stream.linear.scatter [tilespmem:s2], [sflag:$0x2], $0x10000, $0x38;
	[tilespmem:$0x1E000] =	vst v63  }
0x139: {  	_ = 	snop  }
0x13a: {  	[hbm4b:s16+s2] =	stream.linear.scatter [tilespmem:s2], [sflag:$0x2], $0x10000, $0x38;
	[tilespmem:$0x1E000] =	vst v63  }
0x13b: {  	_ = 	snop  }
0x13c: {  	[hbm4b:s17+s2] =	stream.linear.scatter [tilespmem:s2], [sflag:$0x2], $0x10000, $0x38;
	[tilespmem:$0x1E000] =	vst v63  }
0x13d: {  	_ = 	snop  }
0x13e: {  	[hbm4b:s19+s2] =	stream.linear.scatter [tilespmem:s2], [sflag:$0x2], $0x10000, $0x38;
	[tilespmem:$0x1E000] =	vst v63  }
0x13f: {  	_ =	swait.ge [sflag:s14], $0xE000  }
0x140: {  	[sflag:s14] =	ssyncset.done $0x0  }
0x141: {  	[sflag:s14] =	ssyncadd.s32 $0xFFFF2000  }
0x142: {  	_ =	swait.ge [sflag:s4], $0x10000  }
0x143: {  	[sflag:s4] =	ssyncset.done $0x0  }
0x144: {  	[sflag:s4] =	ssyncadd.s32 $0xFFFF0000  }
0x145: {  	_ =	swait.ge [sflag:s4], $0x10000  }
0x146: {  	[sflag:s4] =	ssyncset.done $0x0  }
0x147: {  	[sflag:s4] =	ssyncadd.s32 $0xFFFF0000  }
0x148: {  	_ =	swait.ge [sflag:s4], $0x10000  }
0x149: {  	[sflag:s4] =	ssyncset.done $0x0  }
0x14a: {  	[sflag:s4] =	ssyncadd.s32 $0xFFFF0000  }
0x14b: {  	_ =	swait.ge [sflag:s4], $0x10000  }
0x14c: {  	[sflag:s4] =	ssyncset.done $0x0  }
0x14d: {  	[sflag:s4] =	ssyncadd.s32 $0xFFFF0000  }
0x14e: {  	[tilespmem:s2], [sflag:$0x1] =	stream.linear.gather [hbm4b:s7+s2], $0x4000, $0x38;
	[tilespmem:$0x1E000] =	vst v63  }
0x14f: {  	_ = 	snop  }
0x150: {  	[hbm4b:s8+s2] =	stream.linear.scatter [tilespmem:s15], [sflag:$0x3], $0xE000, $0x38;
	[tilespmem:$0x1E000] =	vst v63  }
0x151: {  	_ = 	snop  }
0x152: {  	[hbm4b:s9+s2] =	stream.linear.scatter [tilespmem:s15], [sflag:$0x3], $0xE000, $0x38;
	[tilespmem:$0x1E000] =	vst v63  }
0x153: {  	_ = 	snop  }
0x154: {  	[hbm4b:s10+s2] =	stream.linear.scatter [tilespmem:s15], [sflag:$0x3], $0xE000, $0x38;
	[tilespmem:$0x1E000] =	vst v63  }
0x155: {  	_ = 	snop  }
0x156: {  	[hbm4b:s11+s2] =	stream.linear.scatter [tilespmem:s15], [sflag:$0x3], $0xE000, $0x38;
	[tilespmem:$0x1E000] =	vst v63  }
0x157: {  	_ =	swait.ge [sflag:s14], $0x4000  }
0x158: {  	[sflag:s14] =	ssyncset.done $0x0  }
0x159: {  	[sflag:s14] =	ssyncadd.s32 $0xFFFFC000  }
0x15a: {  	[hbm4b:s5+s2] =	stream.linear.scatter [tilespmem:s2], [sflag:$0x2], $0x4000, $0x38;
	[tilespmem:$0x1E000] =	vst v63  }
0x15b: {  	_ = 	snop  }
0x15c: {  	[hbm4b:s6+s2] =	stream.linear.scatter [tilespmem:s2], [sflag:$0x2], $0x4000, $0x38;
	[tilespmem:$0x1E000] =	vst v63  }
0x15d: {  	_ = 	snop  }
0x15e: {  	[hbm4b:s12+s2] =	stream.linear.scatter [tilespmem:s2], [sflag:$0x2], $0x4000, $0x38;
	[tilespmem:$0x1E000] =	vst v63  }
0x15f: {  	_ = 	snop  }
0x160: {  	[hbm4b:s13+s2] =	stream.linear.scatter [tilespmem:s2], [sflag:$0x2], $0x4000, $0x38;
	[tilespmem:$0x1E000] =	vst v63  }
0x161: {  	_ =	swait.ge [sflag:s4], $0x4000  }
0x162: {  	[sflag:s4] =	ssyncset.done $0x0  }
0x163: {  	[sflag:s4] =	ssyncadd.s32 $0xFFFFC000  }
0x164: {  	_ =	swait.ge [sflag:s4], $0x4000  }
0x165: {  	[sflag:s4] =	ssyncset.done $0x0  }
0x166: {  	[sflag:s4] =	ssyncadd.s32 $0xFFFFC000  }
0x167: {  	_ =	swait.ge [sflag:s4], $0x4000  }
0x168: {  	[sflag:s4] =	ssyncset.done $0x0  }
0x169: {  	[sflag:s4] =	ssyncadd.s32 $0xFFFFC000  }
0x16a: {  	_ =	swait.ge [sflag:s4], $0x4000  }
0x16b: {  	[sflag:s4] =	ssyncset.done $0x0  }
0x16c: {  	[sflag:s4] =	ssyncadd.s32 $0xFFFFC000  }
0x16d: {  	_ =	swait.ge [sflag:s3], $0xE000  }
0x16e: {  	[sflag:s3] =	ssyncset.done $0x0  }
0x16f: {  	[sflag:s3] =	ssyncadd.s32 $0xFFFF2000  }
0x170: {  	_ =	swait.ge [sflag:s3], $0xE000  }
0x171: {  	[sflag:s3] =	ssyncset.done $0x0  }
0x172: {  	[sflag:s3] =	ssyncadd.s32 $0xFFFF2000  }
0x173: {  	_ =	swait.ge [sflag:s3], $0xE000  }
0x174: {  	[sflag:s3] =	ssyncset.done $0x0  }
0x175: {  	[sflag:s3] =	ssyncadd.s32 $0xFFFF2000  }
0x176: {  	_ =	swait.ge [sflag:s3], $0xE000  }
0x177: {  	[sflag:s3] =	ssyncset.done $0x0  }
0x178: {  	[sflag:s3] =	ssyncadd.s32 $0xFFFF2000  }
0x179: {  	_ =	sfence.sel $0x180000  }
0x17a: {  	[bflag:$0x0] =	sbarrier.arrive $0xFFFF  }
0x17b: {  	_ =	strace $0x90000047  }
0x17c: {  	s0 =	stileid.u32;
	[bflag:$0x2] =	sbarrier.arrive $0xFFFF  }
0x17d: {  	p0 =	sne.s32 s0, $0x0;
	s0 =	rddreg [dreg:$0x2]  }
0x17e: {  	s0 =	sadd.s32 @!p0 $0x100000, s0  }
0x17f: {  	[sflag:s0] =	ssyncadd.tile.s32 @!p0 $0x1;
	_ =	shalt  }
.Lfunc_end2:
_tile_overlayer_lowered:
.L_overlay_start_2:
0x180: {  	(tag) =	ssettag $0x2  }
0x181: {  	s0 =	rddreg [dreg:$0x0];
	s2 =	stileid.u32  }
0x182: {  	s1 =	rddreg [dreg:$0x1];
	p0 =	sne.s32 s2, $0x0  }
0x183: {  	s3 =	rddreg [dreg:$0x2];
	[bflag:$0x3] =	sbarrier.arrive $0xFFFF;
	s2 =	simm.s32 @!p0 $0x1C04  }
0x184: {  	[timem:s3], [sflag:s2] =	dma.local @!p0 [hbm:s0], s1  }
0x185: {  	s0 =	simm.s32 @!p0 $0x4  }
0x186: {  	_ =	swait.ge @!p0 [sflag:s0], s1  }
0x187: {  	s1 =	ssub.s32 @!p0 $0x0, s1;
	[sflag:s0] =	ssyncset.done @!p0 $0x0  }
0x188: {  	[sflag:s0] =	ssyncadd.s32 @!p0 s1  }
0x189: {  	[bflag:$0x3] =	sbarrier.arrive $0xFFFF  }
0x18a: {  	_ =	shalt  }

</sc_bundles>
